<compile_context>
chip_gen: v7x
topology: tpu7x:2x2x1
jax: 0.10.2.dev20260603
libtpu: 0.0.44.dev20260713+nightly
codegen_flags: <defaults>
</compile_context>

<pallas_src>
import functools

import jax
import jax.numpy as jnp
from jax import lax
from jax.experimental import pallas as pl
from jax.experimental.pallas import tpu as pltpu
from jax.experimental.pallas import tpu_sc as plsc

N = 100000
E = 3200000
D = 16

NC = 2
NS = 16
NW = NC * NS

LANE = 128
N_PAD = 100352
ROWS_PER_TILE = N_PAD // NS
E_PER_TILE = E // NW
HCHUNK = 2048
H_PAIRS = 24
H_TAIL = (1024, 512, 128, 32)
BLK = 2048
GRID = N_PAD // BLK

_mesh = plsc.VectorSubcoreMesh(
    core_axis_name="c", subcore_axis_name="s", num_cores=NC, num_subcores=NS)


@functools.partial(
    pl.kernel,
    out_type=jax.ShapeDtypeStruct((NC, N_PAD), jnp.float32),
    mesh=_mesh,
    scratch_types=[
        pltpu.VMEM_SHARED((N_PAD,), jnp.float32),
        pltpu.VMEM((2, HCHUNK), jnp.int32),
        pltpu.VMEM((HCHUNK,), jnp.float32),
        pltpu.VMEM((ROWS_PER_TILE // 8,), jnp.float32),
        pltpu.SemaphoreType.DMA,
    ],
    compiler_params=pltpu.CompilerParams(use_tc_tiling_on_sc=False),
)
def _sc_degree(edges_hbm, degp_hbm, deg_sp, idx_v, ones_v, zbuf, ssem):
    c = lax.axis_index("c")
    s = lax.axis_index("s")
    wid = s * NC + c
    zc = ROWS_PER_TILE // 8

    def zfill(i, carry):
        zbuf[pl.ds(i * 16, 16)] = jnp.zeros((16,), jnp.float32)
        return carry

    lax.fori_loop(0, zc // 16, zfill, 0)

    def ofill(i, carry):
        ones_v[pl.ds(i * 16, 16)] = jnp.ones((16,), jnp.float32)
        return carry

    lax.fori_loop(0, HCHUNK // 16, ofill, 0)
    for q in range(8):
        pltpu.sync_copy(zbuf,
                        deg_sp.at[pl.ds(s * ROWS_PER_TILE + q * zc, zc)])
    plsc.subcore_barrier()

    base = wid * E_PER_TILE

    def stage(b, ch):
        pltpu.sync_copy(edges_hbm.at[1, pl.ds(base + ch * HCHUNK, HCHUNK)],
                        idx_v.at[b])

    def fire(b):
        pltpu.async_copy(ones_v, deg_sp.at[idx_v.at[b]], ssem, add=True)

    def drain(b):
        pltpu.make_async_copy(ones_v, deg_sp.at[idx_v.at[b]], ssem).wait()

    stage(0, 0)

    def body(p, carry):
        fire(0)
        stage(1, 2 * p + 1)
        drain(0)
        fire(1)

        @pl.when(p + 1 < H_PAIRS)
        def _():
            stage(0, 2 * p + 2)
        drain(1)
        return carry

    lax.fori_loop(0, H_PAIRS, body, 0)
    off = 2 * H_PAIRS * HCHUNK
    for tl in H_TAIL:
        pltpu.sync_copy(edges_hbm.at[1, pl.ds(base + off, tl)],
                        idx_v.at[0, pl.ds(0, tl)])
        pltpu.sync_copy(ones_v.at[pl.ds(0, tl)],
                        deg_sp.at[idx_v.at[0, pl.ds(0, tl)]], add=True)
        off += tl
    plsc.subcore_barrier()
    pltpu.sync_copy(deg_sp.at[pl.ds(s * ROWS_PER_TILE, ROWS_PER_TILE)],
                    degp_hbm.at[c, pl.ds(s * ROWS_PER_TILE, ROWS_PER_TILE)])


KA = 6
NBUF = 2
ACHUNK = KA * LANE
P_AGG = 65
A_TAIL = (128, 32)


@functools.partial(
    pl.kernel,
    out_type=jax.ShapeDtypeStruct((NC, N_PAD, D), jnp.float32),
    mesh=_mesh,
    scratch_types=[
        pltpu.VMEM_SHARED((N_PAD, D), jnp.float32),
        pltpu.VMEM((NBUF, 2, ACHUNK), jnp.int32),
        pltpu.VMEM((NBUF, ACHUNK, D), jnp.float32),
        pltpu.SemaphoreType.DMA,
        pltpu.SemaphoreType.DMA,
        pltpu.SemaphoreType.DMA,
    ],
    compiler_params=pltpu.CompilerParams(use_tc_tiling_on_sc=False),
)
def _sc_aggregate(edges_hbm, t_hbm, zeros_hbm, aggp_hbm,
                  agg_sp, eidx, rows, gsem, ssem, stsem):
    c = lax.axis_index("c")
    s = lax.axis_index("s")
    wid = s * NC + c
    pltpu.sync_copy(zeros_hbm.at[pl.ds(s * ROWS_PER_TILE, ROWS_PER_TILE)],
                    agg_sp.at[pl.ds(s * ROWS_PER_TILE, ROWS_PER_TILE)])
    plsc.subcore_barrier()

    base = wid * E_PER_TILE

    def stage(b, ch):
        pltpu.sync_copy(edges_hbm.at[:, pl.ds(base + ch * ACHUNK, ACHUNK)],
                        eidx.at[b])

    def stage_start(b, ch):
        pltpu.async_copy(edges_hbm.at[:, pl.ds(base + ch * ACHUNK, ACHUNK)],
                         eidx.at[b], stsem)

    def stage_wait(b, ch):
        pltpu.make_async_copy(
            edges_hbm.at[:, pl.ds(base + ch * ACHUNK, ACHUNK)],
            eidx.at[b], stsem).wait()

    def fire_gather(b):
        pltpu.async_copy(t_hbm.at[eidx.at[b, 0]], rows.at[b], gsem)

    def drain_gather(b):
        pltpu.make_async_copy(t_hbm.at[eidx.at[b, 0]], rows.at[b],
                              gsem).wait()

    def fire_scatter(b):
        pltpu.async_copy(rows.at[b], agg_sp.at[eidx.at[b, 1]], ssem,
                         add=True)

    def drain_scatter(b):
        pltpu.make_async_copy(rows.at[b], agg_sp.at[eidx.at[b, 1]],
                              ssem).wait()

    for b in range(NBUF):
        stage(b, b)
        fire_gather(b)

    def body(p, carry):
        for b in range(NBUF):
            drain_gather(b)
            fire_scatter(b)

        @pl.when(p + 1 < P_AGG)
        def _():
            for b in range(NBUF):
                drain_scatter(b)
                stage_start(b, (p + 1) * NBUF + b)
            for b in range(NBUF):
                stage_wait(b, (p + 1) * NBUF + b)
                fire_gather(b)
        return carry

    lax.fori_loop(0, P_AGG, body, 0)
    for b in range(NBUF):
        drain_scatter(b)
    off = P_AGG * NBUF * ACHUNK
    for tl in A_TAIL:
        pltpu.sync_copy(edges_hbm.at[:, pl.ds(base + off, tl)],
                        eidx.at[0, :, pl.ds(0, tl)])
        pltpu.sync_copy(t_hbm.at[eidx.at[0, 0, pl.ds(0, tl)]],
                        rows.at[0, pl.ds(0, tl)])
        pltpu.sync_copy(rows.at[0, pl.ds(0, tl)],
                        agg_sp.at[eidx.at[0, 1, pl.ds(0, tl)]], add=True)
        off += tl
    plsc.subcore_barrier()
    pltpu.sync_copy(agg_sp.at[pl.ds(s * ROWS_PER_TILE, ROWS_PER_TILE)],
                    aggp_hbm.at[c, pl.ds(s * ROWS_PER_TILE, ROWS_PER_TILE)])


PR = N_PAD // 8
PB = BLK // 8


def _tc_scale_body(dexp_ref, x_ref, t_ref):
    dis = lax.rsqrt(dexp_ref[...] + 1.0)
    t_ref[...] = x_ref[...] * dis


def _tc_scale(dexp, x128):
    return pl.pallas_call(
        _tc_scale_body,
        grid=(GRID,),
        in_specs=[
            pl.BlockSpec((PB, LANE), lambda i: (i, 0)),
            pl.BlockSpec((PB, LANE), lambda i: (i, 0)),
        ],
        out_specs=pl.BlockSpec((PB, LANE), lambda i: (i, 0)),
        out_shape=jax.ShapeDtypeStruct((PR, LANE), jnp.float32),
    )(dexp, x128)


def _tc_finish_body(aggp_ref, t_ref, dexp_ref, wbd_ref, b_ref, g_ref,
                    out_ref, z_ref):
    dis = lax.rsqrt(dexp_ref[...] + 1.0)
    h = (aggp_ref[0] + aggp_ref[1] + t_ref[...]) * dis
    o = jnp.dot(h, wbd_ref[...], preferred_element_type=jnp.float32) \
        + b_ref[...]
    m = jnp.max(o, axis=1, keepdims=True)
    e = jnp.exp(o - m)
    sums = jnp.dot(e, g_ref[...], preferred_element_type=jnp.float32)
    out_ref[...] = o
    z_ref[...] = o - m - jnp.log(sums)


def _tc_finish(aggp128, t128, dexp, wbd, b128, g):
    return pl.pallas_call(
        _tc_finish_body,
        grid=(GRID,),
        in_specs=[
            pl.BlockSpec((NC, PB, LANE), lambda i: (0, i, 0)),
            pl.BlockSpec((PB, LANE), lambda i: (i, 0)),
            pl.BlockSpec((PB, LANE), lambda i: (i, 0)),
            pl.BlockSpec((LANE, LANE), lambda i: (0, 0)),
            pl.BlockSpec((1, LANE), lambda i: (0, 0)),
            pl.BlockSpec((LANE, LANE), lambda i: (0, 0)),
        ],
        out_specs=[
            pl.BlockSpec((PB, LANE), lambda i: (i, 0)),
            pl.BlockSpec((PB, LANE), lambda i: (i, 0)),
        ],
        out_shape=[
            jax.ShapeDtypeStruct((N // 8, LANE), jnp.float32),
            jax.ShapeDtypeStruct((N // 8, LANE), jnp.float32),
        ],
    )(aggp128, t128, dexp, wbd, b128, g)


def kernel(x, edge_index, W, b):
    degp = _sc_degree(edge_index)
    dexp = jnp.repeat(degp[0] + degp[1], D).reshape(PR, LANE)
    t128 = _tc_scale(dexp, x.reshape(N // 8, LANE))
    aggp = _sc_aggregate(edge_index, t128.reshape(N_PAD, D),
                         jnp.zeros((N_PAD, D), jnp.float32))
    wbd = jnp.kron(jnp.eye(8, dtype=jnp.float32), W)
    g = jnp.kron(jnp.eye(8, dtype=jnp.float32),
                 jnp.ones((D, D), jnp.float32))
    b128 = jnp.tile(b, 8).reshape(1, LANE)
    out128, z128 = _tc_finish(aggp.reshape(NC, PR, LANE), t128, dexp, wbd,
                              b128, g)
    return (out128.reshape(N, D), z128.reshape(N, D))

# --- scband reference (transcript-rebuilt; emitter-appended) ---
"""Pipeline reference for scband-gcn-81183471829720 (READ-ONLY COPY).

The authoritative reference and input builder live on the scoring server;
editing this copy changes nothing except your own understanding.
"""

import jax, jax.numpy as jnp
import numpy as np

N = 100000
E = 3200000
D = 16

def setup_inputs(seed: int = 0) -> dict:
    key = jax.random.key(seed)
    k1, k2, k3, k4 = jax.random.split(key, 4)
    x = jax.random.normal(k1, (N, D), dtype=jnp.float32)
    edge_index = jax.random.randint(k2, (2, E), 0, N, dtype=jnp.int32)
    # GCNConv(16, 16) learned parameters (glorot-like init)
    W = jax.random.normal(k3, (D, D), dtype=jnp.float32) * (1.0 / np.sqrt(D))
    b = jnp.zeros((D,), dtype=jnp.float32)
    return {"x": x, "edge_index": edge_index, "W": W, "b": b}

def reference(x, edge_index, W, b):
    # GCNConv with self-loops and symmetric normalization (PyG defaults)
    src = edge_index[0]
    dst = edge_index[1]
    loop = jnp.arange(N, dtype=src.dtype)
    src_f = jnp.concatenate([src, loop])
    dst_f = jnp.concatenate([dst, loop])
    ones = jnp.ones((src_f.shape[0],), dtype=x.dtype)
    deg = jax.ops.segment_sum(ones, dst_f, num_segments=N)
    deg_inv_sqrt = jnp.where(deg > 0, jax.lax.rsqrt(jnp.maximum(deg, 1e-12)), 0.0)
    norm = deg_inv_sqrt[src_f] * deg_inv_sqrt[dst_f]
    xw = x @ W
    msg = xw[src_f] * norm[:, None]
    out = jax.ops.segment_sum(msg, dst_f, num_segments=N) + b
    z = jax.nn.log_softmax(out, axis=1)
    return (out, z)

if __name__ == "__main__":
    import jax
    _d = setup_inputs()
    print(jax.jit(kernel)(*tuple(_d.values())))

</pallas_src>

<mosaic_0001>
#map = affine_map<(d0, d1) -> (0, 0)>
module attributes {stable_mosaic.version = 14 : i64} {
  func.func @_sc_degree(%arg0: i32, %arg1: i32, %arg2: memref<2x3200000xi32, #tpu.memory_space<hbm>>, %arg3: memref<2x100352xf32, #tpu.memory_space<hbm>>, %arg4: memref<100352xf32, #tpu.memory_space<vmem_shared>>, %arg5: memref<2x2048xi32, #tpu.memory_space<vmem>>, %arg6: memref<2048xf32, #tpu.memory_space<vmem>>, %arg7: memref<784xf32, #tpu.memory_space<vmem>>, %arg8: memref<!tpu.dma_semaphore, #tpu.memory_space<semaphore_mem>>) attributes {dimension_semantics = [#tpu.dimension_semantics<core_parallel>, #tpu.dimension_semantics<subcore_parallel>], iteration_bounds = array<i64: 2, 16>, scalar_prefetch = 0 : i64, scratch_operands = 5 : i64, tpu.core_type = #tpu.core_type<sc_vector_subcore>, window_params = [{transform_indices = #map}, {transform_indices = #map}]} {
    %mul3A = arith.constant 2 : i32
    %mul3A_0 = arith.muli %arg1, %mul3A : i32
    %add3A = arith.addi %mul3A_0, %arg0 : i32
    %scan3A = arith.constant 0 : i32
    %scan3A_1 = arith.constant 0 : i32
    %scan3A_2 = arith.constant 49 : i32
    %scan3A_3 = arith.addi %scan3A_1, %scan3A_2 : i32
    %scan3A_4 = arith.constant 1 : i32
    scf.for %scan3A_80 = %scan3A_1 to %scan3A_3 step %scan3A_4  : i32 {
      %broadcast_in_dim3A = arith.constant 0.000000e+00 : f32
      %broadcast_in_dim3A_81 = vector.broadcast %broadcast_in_dim3A : f32 to vector<16xf32>
      %mul3A_82 = arith.constant 16 : i32
      %mul3A_83 = arith.muli %scan3A_80, %mul3A_82 : i32
      %swap3A = arith.index_cast %mul3A_83 : i32 to index
      %swap3A_84 = tpu.vector_load %arg7[%swap3A] {strides = array<i32>} : memref<784xf32, #tpu.memory_space<vmem>>, vector<16xf32>,
      %swap3A_85 = vector.shape_cast %swap3A_84 : vector<16xf32> to vector<16xf32>
      %swap3A_86 = vector.shape_cast %broadcast_in_dim3A_81 : vector<16xf32> to vector<16xf32>
      tpu.vector_store %arg7[%swap3A], %swap3A_86 {strides = array<i32>} : memref<784xf32, #tpu.memory_space<vmem>>, vector<16xf32>,
    }
    %scan3A_5 = arith.constant 49 : i32
    %scan3A_6 = arith.constant 0 : i32
    %scan3A_7 = arith.constant 0 : i32
    %scan3A_8 = arith.constant 128 : i32
    %scan3A_9 = arith.addi %scan3A_7, %scan3A_8 : i32
    %scan3A_10 = arith.constant 1 : i32
    scf.for %scan3A_80 = %scan3A_7 to %scan3A_9 step %scan3A_10  : i32 {
      %broadcast_in_dim3A = arith.constant 1.000000e+00 : f32
      %broadcast_in_dim3A_81 = vector.broadcast %broadcast_in_dim3A : f32 to vector<16xf32>
      %mul3A_82 = arith.constant 16 : i32
      %mul3A_83 = arith.muli %scan3A_80, %mul3A_82 : i32
      %swap3A = arith.index_cast %mul3A_83 : i32 to index
      %swap3A_84 = tpu.vector_load %arg6[%swap3A] {strides = array<i32>} : memref<2048xf32, #tpu.memory_space<vmem>>, vector<16xf32>,
      %swap3A_85 = vector.shape_cast %swap3A_84 : vector<16xf32> to vector<16xf32>
      %swap3A_86 = vector.shape_cast %broadcast_in_dim3A_81 : vector<16xf32> to vector<16xf32>
      tpu.vector_store %arg6[%swap3A], %swap3A_86 {strides = array<i32>} : memref<2048xf32, #tpu.memory_space<vmem>>, vector<16xf32>,
    }
    %scan3A_11 = arith.constant 128 : i32
    %mul3A_12 = arith.constant 6272 : i32
    %mul3A_13 = arith.muli %arg1, %mul3A_12 : i32
    %add3A_14 = arith.constant 0 : i32
    %add3A_15 = arith.addi %mul3A_13, %add3A_14 : i32
    "tpu.region"() ({
      %run_scoped3A_80 = tpu.sem_alloc : memref<!tpu.dma_semaphore, #tpu.memory_space<semaphore_mem>>
      %dma_start3A = tpu.memref_slice %arg4[%add3A_15] : memref<100352xf32, #tpu.memory_space<vmem_shared>> -> memref<784xf32, #tpu.memory_space<vmem_shared>>
      %dma_start3A_81 = tpu.memref_slice %arg4[%add3A_15] : memref<100352xf32, #tpu.memory_space<vmem_shared>> -> memref<784xf32, #tpu.memory_space<vmem_shared>>
      tpu.enqueue_dma source(%arg7 : memref<784xf32, #tpu.memory_space<vmem>>) target(%dma_start3A_81 : memref<784xf32, #tpu.memory_space<vmem_shared>>) target_semaphore(%run_scoped3A_80 : memref<!tpu.dma_semaphore, #tpu.memory_space<semaphore_mem>>)
      %dma_wait3A = tpu.memref_slice %arg4[%add3A_15] : memref<100352xf32, #tpu.memory_space<vmem_shared>> -> memref<784xf32, #tpu.memory_space<vmem_shared>>
      %dma_wait3A_82 = tpu.memref_slice %arg4[%add3A_15] : memref<100352xf32, #tpu.memory_space<vmem_shared>> -> memref<784xf32, #tpu.memory_space<vmem_shared>>
      tpu.wait_dma2 semaphore(%run_scoped3A_80 : memref<!tpu.dma_semaphore, #tpu.memory_space<semaphore_mem>>) src(%arg7 : memref<784xf32, #tpu.memory_space<vmem>>) dst(%dma_wait3A_82 : memref<784xf32, #tpu.memory_space<vmem_shared>>)
      tpu.yield
    }) : () -> ()
    %mul3A_16 = arith.constant 6272 : i32
    %mul3A_17 = arith.muli %arg1, %mul3A_16 : i32
    %add3A_18 = arith.constant 784 : i32
    %add3A_19 = arith.addi %mul3A_17, %add3A_18 : i32
    "tpu.region"() ({
      %run_scoped3A_80 = tpu.sem_alloc : memref<!tpu.dma_semaphore, #tpu.memory_space<semaphore_mem>>
      %dma_start3A = tpu.memref_slice %arg4[%add3A_19] : memref<100352xf32, #tpu.memory_space<vmem_shared>> -> memref<784xf32, #tpu.memory_space<vmem_shared>>
      %dma_start3A_81 = tpu.memref_slice %arg4[%add3A_19] : memref<100352xf32, #tpu.memory_space<vmem_shared>> -> memref<784xf32, #tpu.memory_space<vmem_shared>>
      tpu.enqueue_dma source(%arg7 : memref<784xf32, #tpu.memory_space<vmem>>) target(%dma_start3A_81 : memref<784xf32, #tpu.memory_space<vmem_shared>>) target_semaphore(%run_scoped3A_80 : memref<!tpu.dma_semaphore, #tpu.memory_space<semaphore_mem>>)
      %dma_wait3A = tpu.memref_slice %arg4[%add3A_19] : memref<100352xf32, #tpu.memory_space<vmem_shared>> -> memref<784xf32, #tpu.memory_space<vmem_shared>>
      %dma_wait3A_82 = tpu.memref_slice %arg4[%add3A_19] : memref<100352xf32, #tpu.memory_space<vmem_shared>> -> memref<784xf32, #tpu.memory_space<vmem_shared>>
      tpu.wait_dma2 semaphore(%run_scoped3A_80 : memref<!tpu.dma_semaphore, #tpu.memory_space<semaphore_mem>>) src(%arg7 : memref<784xf32, #tpu.memory_space<vmem>>) dst(%dma_wait3A_82 : memref<784xf32, #tpu.memory_space<vmem_shared>>)
      tpu.yield
    }) : () -> ()
    %mul3A_20 = arith.constant 6272 : i32
    %mul3A_21 = arith.muli %arg1, %mul3A_20 : i32
    %add3A_22 = arith.constant 1568 : i32
    %add3A_23 = arith.addi %mul3A_21, %add3A_22 : i32
    "tpu.region"() ({
      %run_scoped3A_80 = tpu.sem_alloc : memref<!tpu.dma_semaphore, #tpu.memory_space<semaphore_mem>>
      %dma_start3A = tpu.memref_slice %arg4[%add3A_23] : memref<100352xf32, #tpu.memory_space<vmem_shared>> -> memref<784xf32, #tpu.memory_space<vmem_shared>>
      %dma_start3A_81 = tpu.memref_slice %arg4[%add3A_23] : memref<100352xf32, #tpu.memory_space<vmem_shared>> -> memref<784xf32, #tpu.memory_space<vmem_shared>>
      tpu.enqueue_dma source(%arg7 : memref<784xf32, #tpu.memory_space<vmem>>) target(%dma_start3A_81 : memref<784xf32, #tpu.memory_space<vmem_shared>>) target_semaphore(%run_scoped3A_80 : memref<!tpu.dma_semaphore, #tpu.memory_space<semaphore_mem>>)
      %dma_wait3A = tpu.memref_slice %arg4[%add3A_23] : memref<100352xf32, #tpu.memory_space<vmem_shared>> -> memref<784xf32, #tpu.memory_space<vmem_shared>>
      %dma_wait3A_82 = tpu.memref_slice %arg4[%add3A_23] : memref<100352xf32, #tpu.memory_space<vmem_shared>> -> memref<784xf32, #tpu.memory_space<vmem_shared>>
      tpu.wait_dma2 semaphore(%run_scoped3A_80 : memref<!tpu.dma_semaphore, #tpu.memory_space<semaphore_mem>>) src(%arg7 : memref<784xf32, #tpu.memory_space<vmem>>) dst(%dma_wait3A_82 : memref<784xf32, #tpu.memory_space<vmem_shared>>)
      tpu.yield
    }) : () -> ()
    %mul3A_24 = arith.constant 6272 : i32
    %mul3A_25 = arith.muli %arg1, %mul3A_24 : i32
    %add3A_26 = arith.constant 2352 : i32
    %add3A_27 = arith.addi %mul3A_25, %add3A_26 : i32
    "tpu.region"() ({
      %run_scoped3A_80 = tpu.sem_alloc : memref<!tpu.dma_semaphore, #tpu.memory_space<semaphore_mem>>
      %dma_start3A = tpu.memref_slice %arg4[%add3A_27] : memref<100352xf32, #tpu.memory_space<vmem_shared>> -> memref<784xf32, #tpu.memory_space<vmem_shared>>
      %dma_start3A_81 = tpu.memref_slice %arg4[%add3A_27] : memref<100352xf32, #tpu.memory_space<vmem_shared>> -> memref<784xf32, #tpu.memory_space<vmem_shared>>
      tpu.enqueue_dma source(%arg7 : memref<784xf32, #tpu.memory_space<vmem>>) target(%dma_start3A_81 : memref<784xf32, #tpu.memory_space<vmem_shared>>) target_semaphore(%run_scoped3A_80 : memref<!tpu.dma_semaphore, #tpu.memory_space<semaphore_mem>>)
      %dma_wait3A = tpu.memref_slice %arg4[%add3A_27] : memref<100352xf32, #tpu.memory_space<vmem_shared>> -> memref<784xf32, #tpu.memory_space<vmem_shared>>
      %dma_wait3A_82 = tpu.memref_slice %arg4[%add3A_27] : memref<100352xf32, #tpu.memory_space<vmem_shared>> -> memref<784xf32, #tpu.memory_space<vmem_shared>>
      tpu.wait_dma2 semaphore(%run_scoped3A_80 : memref<!tpu.dma_semaphore, #tpu.memory_space<semaphore_mem>>) src(%arg7 : memref<784xf32, #tpu.memory_space<vmem>>) dst(%dma_wait3A_82 : memref<784xf32, #tpu.memory_space<vmem_shared>>)
      tpu.yield
    }) : () -> ()
    %mul3A_28 = arith.constant 6272 : i32
    %mul3A_29 = arith.muli %arg1, %mul3A_28 : i32
    %add3A_30 = arith.constant 3136 : i32
    %add3A_31 = arith.addi %mul3A_29, %add3A_30 : i32
    "tpu.region"() ({
      %run_scoped3A_80 = tpu.sem_alloc : memref<!tpu.dma_semaphore, #tpu.memory_space<semaphore_mem>>
      %dma_start3A = tpu.memref_slice %arg4[%add3A_31] : memref<100352xf32, #tpu.memory_space<vmem_shared>> -> memref<784xf32, #tpu.memory_space<vmem_shared>>
      %dma_start3A_81 = tpu.memref_slice %arg4[%add3A_31] : memref<100352xf32, #tpu.memory_space<vmem_shared>> -> memref<784xf32, #tpu.memory_space<vmem_shared>>
      tpu.enqueue_dma source(%arg7 : memref<784xf32, #tpu.memory_space<vmem>>) target(%dma_start3A_81 : memref<784xf32, #tpu.memory_space<vmem_shared>>) target_semaphore(%run_scoped3A_80 : memref<!tpu.dma_semaphore, #tpu.memory_space<semaphore_mem>>)
      %dma_wait3A = tpu.memref_slice %arg4[%add3A_31] : memref<100352xf32, #tpu.memory_space<vmem_shared>> -> memref<784xf32, #tpu.memory_space<vmem_shared>>
      %dma_wait3A_82 = tpu.memref_slice %arg4[%add3A_31] : memref<100352xf32, #tpu.memory_space<vmem_shared>> -> memref<784xf32, #tpu.memory_space<vmem_shared>>
      tpu.wait_dma2 semaphore(%run_scoped3A_80 : memref<!tpu.dma_semaphore, #tpu.memory_space<semaphore_mem>>) src(%arg7 : memref<784xf32, #tpu.memory_space<vmem>>) dst(%dma_wait3A_82 : memref<784xf32, #tpu.memory_space<vmem_shared>>)
      tpu.yield
    }) : () -> ()
    %mul3A_32 = arith.constant 6272 : i32
    %mul3A_33 = arith.muli %arg1, %mul3A_32 : i32
    %add3A_34 = arith.constant 3920 : i32
    %add3A_35 = arith.addi %mul3A_33, %add3A_34 : i32
    "tpu.region"() ({
      %run_scoped3A_80 = tpu.sem_alloc : memref<!tpu.dma_semaphore, #tpu.memory_space<semaphore_mem>>
      %dma_start3A = tpu.memref_slice %arg4[%add3A_35] : memref<100352xf32, #tpu.memory_space<vmem_shared>> -> memref<784xf32, #tpu.memory_space<vmem_shared>>
      %dma_start3A_81 = tpu.memref_slice %arg4[%add3A_35] : memref<100352xf32, #tpu.memory_space<vmem_shared>> -> memref<784xf32, #tpu.memory_space<vmem_shared>>
      tpu.enqueue_dma source(%arg7 : memref<784xf32, #tpu.memory_space<vmem>>) target(%dma_start3A_81 : memref<784xf32, #tpu.memory_space<vmem_shared>>) target_semaphore(%run_scoped3A_80 : memref<!tpu.dma_semaphore, #tpu.memory_space<semaphore_mem>>)
      %dma_wait3A = tpu.memref_slice %arg4[%add3A_35] : memref<100352xf32, #tpu.memory_space<vmem_shared>> -> memref<784xf32, #tpu.memory_space<vmem_shared>>
      %dma_wait3A_82 = tpu.memref_slice %arg4[%add3A_35] : memref<100352xf32, #tpu.memory_space<vmem_shared>> -> memref<784xf32, #tpu.memory_space<vmem_shared>>
      tpu.wait_dma2 semaphore(%run_scoped3A_80 : memref<!tpu.dma_semaphore, #tpu.memory_space<semaphore_mem>>) src(%arg7 : memref<784xf32, #tpu.memory_space<vmem>>) dst(%dma_wait3A_82 : memref<784xf32, #tpu.memory_space<vmem_shared>>)
      tpu.yield
    }) : () -> ()
    %mul3A_36 = arith.constant 6272 : i32
    %mul3A_37 = arith.muli %arg1, %mul3A_36 : i32
    %add3A_38 = arith.constant 4704 : i32
    %add3A_39 = arith.addi %mul3A_37, %add3A_38 : i32
    "tpu.region"() ({
      %run_scoped3A_80 = tpu.sem_alloc : memref<!tpu.dma_semaphore, #tpu.memory_space<semaphore_mem>>
      %dma_start3A = tpu.memref_slice %arg4[%add3A_39] : memref<100352xf32, #tpu.memory_space<vmem_shared>> -> memref<784xf32, #tpu.memory_space<vmem_shared>>
      %dma_start3A_81 = tpu.memref_slice %arg4[%add3A_39] : memref<100352xf32, #tpu.memory_space<vmem_shared>> -> memref<784xf32, #tpu.memory_space<vmem_shared>>
      tpu.enqueue_dma source(%arg7 : memref<784xf32, #tpu.memory_space<vmem>>) target(%dma_start3A_81 : memref<784xf32, #tpu.memory_space<vmem_shared>>) target_semaphore(%run_scoped3A_80 : memref<!tpu.dma_semaphore, #tpu.memory_space<semaphore_mem>>)
      %dma_wait3A = tpu.memref_slice %arg4[%add3A_39] : memref<100352xf32, #tpu.memory_space<vmem_shared>> -> memref<784xf32, #tpu.memory_space<vmem_shared>>
      %dma_wait3A_82 = tpu.memref_slice %arg4[%add3A_39] : memref<100352xf32, #tpu.memory_space<vmem_shared>> -> memref<784xf32, #tpu.memory_space<vmem_shared>>
      tpu.wait_dma2 semaphore(%run_scoped3A_80 : memref<!tpu.dma_semaphore, #tpu.memory_space<semaphore_mem>>) src(%arg7 : memref<784xf32, #tpu.memory_space<vmem>>) dst(%dma_wait3A_82 : memref<784xf32, #tpu.memory_space<vmem_shared>>)
      tpu.yield
    }) : () -> ()
    %mul3A_40 = arith.constant 6272 : i32
    %mul3A_41 = arith.muli %arg1, %mul3A_40 : i32
    %add3A_42 = arith.constant 5488 : i32
    %add3A_43 = arith.addi %mul3A_41, %add3A_42 : i32
    "tpu.region"() ({
      %run_scoped3A_80 = tpu.sem_alloc : memref<!tpu.dma_semaphore, #tpu.memory_space<semaphore_mem>>
      %dma_start3A = tpu.memref_slice %arg4[%add3A_43] : memref<100352xf32, #tpu.memory_space<vmem_shared>> -> memref<784xf32, #tpu.memory_space<vmem_shared>>
      %dma_start3A_81 = tpu.memref_slice %arg4[%add3A_43] : memref<100352xf32, #tpu.memory_space<vmem_shared>> -> memref<784xf32, #tpu.memory_space<vmem_shared>>
      tpu.enqueue_dma source(%arg7 : memref<784xf32, #tpu.memory_space<vmem>>) target(%dma_start3A_81 : memref<784xf32, #tpu.memory_space<vmem_shared>>) target_semaphore(%run_scoped3A_80 : memref<!tpu.dma_semaphore, #tpu.memory_space<semaphore_mem>>)
      %dma_wait3A = tpu.memref_slice %arg4[%add3A_43] : memref<100352xf32, #tpu.memory_space<vmem_shared>> -> memref<784xf32, #tpu.memory_space<vmem_shared>>
      %dma_wait3A_82 = tpu.memref_slice %arg4[%add3A_43] : memref<100352xf32, #tpu.memory_space<vmem_shared>> -> memref<784xf32, #tpu.memory_space<vmem_shared>>
      tpu.wait_dma2 semaphore(%run_scoped3A_80 : memref<!tpu.dma_semaphore, #tpu.memory_space<semaphore_mem>>) src(%arg7 : memref<784xf32, #tpu.memory_space<vmem>>) dst(%dma_wait3A_82 : memref<784xf32, #tpu.memory_space<vmem_shared>>)
      tpu.yield
    }) : () -> ()
    %barrier3A = arith.constant 0 : index
    tpu.barrier barrier_id(%barrier3A)
    %mul3A_44 = arith.constant 100000 : i32
    %mul3A_45 = arith.muli %add3A, %mul3A_44 : i32
    %add3A_46 = arith.constant 0 : i32
    %add3A_47 = arith.addi %mul3A_45, %add3A_46 : i32
    %run_scoped3A = arith.constant 1 : i32
    %run_scoped3A_48 = arith.constant 0 : i32
    "tpu.region"() ({
      %run_scoped3A_80 = tpu.sem_alloc : memref<!tpu.dma_semaphore, #tpu.memory_space<semaphore_mem>>
      %dma_start3A = arith.constant 0 : i32
      %dma_start3A_81 = tpu.memref_slice %arg5[%run_scoped3A_48, %dma_start3A] : memref<2x2048xi32, #tpu.memory_space<vmem>> -> memref<1x2048xi32, #tpu.memory_space<vmem>>
      %dma_start3A_82 = tpu.memref_squeeze %dma_start3A_81 : memref<1x2048xi32, #tpu.memory_space<vmem>> -> memref<2048xi32, #tpu.memory_space<vmem>>
      %dma_start3A_83 = tpu.memref_slice %arg2[%run_scoped3A, %add3A_47] : memref<2x3200000xi32, #tpu.memory_space<hbm>> -> memref<1x2048xi32, #tpu.memory_space<hbm>>
      %dma_start3A_84 = tpu.memref_squeeze %dma_start3A_83 : memref<1x2048xi32, #tpu.memory_space<hbm>> -> memref<2048xi32, #tpu.memory_space<hbm>>
      %dma_start3A_85 = arith.constant 0 : i32
      %dma_start3A_86 = tpu.memref_slice %arg5[%run_scoped3A_48, %dma_start3A_85] : memref<2x2048xi32, #tpu.memory_space<vmem>> -> memref<1x2048xi32, #tpu.memory_space<vmem>>
      %dma_start3A_87 = tpu.memref_squeeze %dma_start3A_86 : memref<1x2048xi32, #tpu.memory_space<vmem>> -> memref<2048xi32, #tpu.memory_space<vmem>>
      %dma_start3A_88 = tpu.memref_slice %arg2[%run_scoped3A, %add3A_47] : memref<2x3200000xi32, #tpu.memory_space<hbm>> -> memref<1x2048xi32, #tpu.memory_space<hbm>>
      %dma_start3A_89 = tpu.memref_squeeze %dma_start3A_88 : memref<1x2048xi32, #tpu.memory_space<hbm>> -> memref<2048xi32, #tpu.memory_space<hbm>>
      tpu.enqueue_dma source(%dma_start3A_89 : memref<2048xi32, #tpu.memory_space<hbm>>) target(%dma_start3A_87 : memref<2048xi32, #tpu.memory_space<vmem>>) target_semaphore(%run_scoped3A_80 : memref<!tpu.dma_semaphore, #tpu.memory_space<semaphore_mem>>)
      %dma_wait3A = arith.constant 0 : i32
      %dma_wait3A_90 = tpu.memref_slice %arg5[%run_scoped3A_48, %dma_wait3A] : memref<2x2048xi32, #tpu.memory_space<vmem>> -> memref<1x2048xi32, #tpu.memory_space<vmem>>
      %dma_wait3A_91 = tpu.memref_squeeze %dma_wait3A_90 : memref<1x2048xi32, #tpu.memory_space<vmem>> -> memref<2048xi32, #tpu.memory_space<vmem>>
      %dma_wait3A_92 = tpu.memref_slice %arg2[%run_scoped3A, %add3A_47] : memref<2x3200000xi32, #tpu.memory_space<hbm>> -> memref<1x2048xi32, #tpu.memory_space<hbm>>
      %dma_wait3A_93 = tpu.memref_squeeze %dma_wait3A_92 : memref<1x2048xi32, #tpu.memory_space<hbm>> -> memref<2048xi32, #tpu.memory_space<hbm>>
      %dma_wait3A_94 = arith.constant 0 : i32
      %dma_wait3A_95 = tpu.memref_slice %arg5[%run_scoped3A_48, %dma_wait3A_94] : memref<2x2048xi32, #tpu.memory_space<vmem>> -> memref<1x2048xi32, #tpu.memory_space<vmem>>
      %dma_wait3A_96 = tpu.memref_squeeze %dma_wait3A_95 : memref<1x2048xi32, #tpu.memory_space<vmem>> -> memref<2048xi32, #tpu.memory_space<vmem>>
      %dma_wait3A_97 = tpu.memref_slice %arg2[%run_scoped3A, %add3A_47] : memref<2x3200000xi32, #tpu.memory_space<hbm>> -> memref<1x2048xi32, #tpu.memory_space<hbm>>
      %dma_wait3A_98 = tpu.memref_squeeze %dma_wait3A_97 : memref<1x2048xi32, #tpu.memory_space<hbm>> -> memref<2048xi32, #tpu.memory_space<hbm>>
      tpu.wait_dma2 semaphore(%run_scoped3A_80 : memref<!tpu.dma_semaphore, #tpu.memory_space<semaphore_mem>>) src(%dma_wait3A_98 : memref<2048xi32, #tpu.memory_space<hbm>>) dst(%dma_wait3A_96 : memref<2048xi32, #tpu.memory_space<vmem>>)
      tpu.yield
    }) : () -> ()
    %scan3A_49 = arith.constant 0 : i32
    %scan3A_50 = arith.constant 0 : i32
    %scan3A_51 = arith.constant 24 : i32
    %scan3A_52 = arith.addi %scan3A_50, %scan3A_51 : i32
    %scan3A_53 = arith.constant 1 : i32
    scf.for %scan3A_80 = %scan3A_50 to %scan3A_52 step %scan3A_53  : i32 {
      %dma_start3A = arith.constant 0 : i32
      %dma_start3A_81 = arith.constant 0 : i32
      %dma_start3A_82 = tpu.memref_slice %arg5[%dma_start3A, %dma_start3A_81] : memref<2x2048xi32, #tpu.memory_space<vmem>> -> memref<1x2048xi32, #tpu.memory_space<vmem>>
      %dma_start3A_83 = tpu.memref_squeeze %dma_start3A_82 : memref<1x2048xi32, #tpu.memory_space<vmem>> -> memref<2048xi32, #tpu.memory_space<vmem>>
      %dma_start3A_84 = arith.constant 0 : i32
      %dma_start3A_85 = tpu.memref_slice %arg4[%dma_start3A_84] : memref<100352xf32, #tpu.memory_space<vmem_shared>> -> memref<100352xf32, #tpu.memory_space<vmem_shared>>
      tpu.enqueue_indirect_dma source(%arg6 : memref<2048xf32, #tpu.memory_space<vmem>>) target(%dma_start3A_85 : memref<100352xf32, #tpu.memory_space<vmem_shared>>) offsets(%dma_start3A_83 : memref<2048xi32, #tpu.memory_space<vmem>>) semaphore(%arg8 : memref<!tpu.dma_semaphore, #tpu.memory_space<semaphore_mem>>) {add = true}
      %mul3A_86 = arith.constant 2 : i32
      %mul3A_87 = arith.muli %mul3A_86, %scan3A_80 : i32
      %add3A_88 = arith.constant 1 : i32
      %add3A_89 = arith.addi %mul3A_87, %add3A_88 : i32
      %mul3A_90 = arith.constant 2048 : i32
      %mul3A_91 = arith.muli %add3A_89, %mul3A_90 : i32
      %add3A_92 = arith.addi %mul3A_45, %mul3A_91 : i32
      %run_scoped3A_93 = arith.constant 1 : i32
      %run_scoped3A_94 = arith.constant 1 : i32
      "tpu.region"() ({
        %run_scoped3A_116 = tpu.sem_alloc : memref<!tpu.dma_semaphore, #tpu.memory_space<semaphore_mem>>
        %dma_start3A_117 = arith.constant 0 : i32
        %dma_start3A_118 = tpu.memref_slice %arg5[%run_scoped3A_94, %dma_start3A_117] : memref<2x2048xi32, #tpu.memory_space<vmem>> -> memref<1x2048xi32, #tpu.memory_space<vmem>>
        %dma_start3A_119 = tpu.memref_squeeze %dma_start3A_118 : memref<1x2048xi32, #tpu.memory_space<vmem>> -> memref<2048xi32, #tpu.memory_space<vmem>>
        %dma_start3A_120 = tpu.memref_slice %arg2[%run_scoped3A_93, %add3A_92] : memref<2x3200000xi32, #tpu.memory_space<hbm>> -> memref<1x2048xi32, #tpu.memory_space<hbm>>
        %dma_start3A_121 = tpu.memref_squeeze %dma_start3A_120 : memref<1x2048xi32, #tpu.memory_space<hbm>> -> memref<2048xi32, #tpu.memory_space<hbm>>
        %dma_start3A_122 = arith.constant 0 : i32
        %dma_start3A_123 = tpu.memref_slice %arg5[%run_scoped3A_94, %dma_start3A_122] : memref<2x2048xi32, #tpu.memory_space<vmem>> -> memref<1x2048xi32, #tpu.memory_space<vmem>>
        %dma_start3A_124 = tpu.memref_squeeze %dma_start3A_123 : memref<1x2048xi32, #tpu.memory_space<vmem>> -> memref<2048xi32, #tpu.memory_space<vmem>>
        %dma_start3A_125 = tpu.memref_slice %arg2[%run_scoped3A_93, %add3A_92] : memref<2x3200000xi32, #tpu.memory_space<hbm>> -> memref<1x2048xi32, #tpu.memory_space<hbm>>
        %dma_start3A_126 = tpu.memref_squeeze %dma_start3A_125 : memref<1x2048xi32, #tpu.memory_space<hbm>> -> memref<2048xi32, #tpu.memory_space<hbm>>
        tpu.enqueue_dma source(%dma_start3A_126 : memref<2048xi32, #tpu.memory_space<hbm>>) target(%dma_start3A_124 : memref<2048xi32, #tpu.memory_space<vmem>>) target_semaphore(%run_scoped3A_116 : memref<!tpu.dma_semaphore, #tpu.memory_space<semaphore_mem>>)
        %dma_wait3A_127 = arith.constant 0 : i32
        %dma_wait3A_128 = tpu.memref_slice %arg5[%run_scoped3A_94, %dma_wait3A_127] : memref<2x2048xi32, #tpu.memory_space<vmem>> -> memref<1x2048xi32, #tpu.memory_space<vmem>>
        %dma_wait3A_129 = tpu.memref_squeeze %dma_wait3A_128 : memref<1x2048xi32, #tpu.memory_space<vmem>> -> memref<2048xi32, #tpu.memory_space<vmem>>
        %dma_wait3A_130 = tpu.memref_slice %arg2[%run_scoped3A_93, %add3A_92] : memref<2x3200000xi32, #tpu.memory_space<hbm>> -> memref<1x2048xi32, #tpu.memory_space<hbm>>
        %dma_wait3A_131 = tpu.memref_squeeze %dma_wait3A_130 : memref<1x2048xi32, #tpu.memory_space<hbm>> -> memref<2048xi32, #tpu.memory_space<hbm>>
        %dma_wait3A_132 = arith.constant 0 : i32
        %dma_wait3A_133 = tpu.memref_slice %arg5[%run_scoped3A_94, %dma_wait3A_132] : memref<2x2048xi32, #tpu.memory_space<vmem>> -> memref<1x2048xi32, #tpu.memory_space<vmem>>
        %dma_wait3A_134 = tpu.memref_squeeze %dma_wait3A_133 : memref<1x2048xi32, #tpu.memory_space<vmem>> -> memref<2048xi32, #tpu.memory_space<vmem>>
        %dma_wait3A_135 = tpu.memref_slice %arg2[%run_scoped3A_93, %add3A_92] : memref<2x3200000xi32, #tpu.memory_space<hbm>> -> memref<1x2048xi32, #tpu.memory_space<hbm>>
        %dma_wait3A_136 = tpu.memref_squeeze %dma_wait3A_135 : memref<1x2048xi32, #tpu.memory_space<hbm>> -> memref<2048xi32, #tpu.memory_space<hbm>>
        tpu.wait_dma2 semaphore(%run_scoped3A_116 : memref<!tpu.dma_semaphore, #tpu.memory_space<semaphore_mem>>) src(%dma_wait3A_136 : memref<2048xi32, #tpu.memory_space<hbm>>) dst(%dma_wait3A_134 : memref<2048xi32, #tpu.memory_space<vmem>>)
        tpu.yield
      }) : () -> ()
      %dma_wait3A = arith.constant 0 : i32
      %dma_wait3A_95 = arith.constant 0 : i32
      %dma_wait3A_96 = tpu.memref_slice %arg5[%dma_wait3A, %dma_wait3A_95] : memref<2x2048xi32, #tpu.memory_space<vmem>> -> memref<1x2048xi32, #tpu.memory_space<vmem>>
      %dma_wait3A_97 = tpu.memref_squeeze %dma_wait3A_96 : memref<1x2048xi32, #tpu.memory_space<vmem>> -> memref<2048xi32, #tpu.memory_space<vmem>>
      %dma_wait3A_98 = arith.constant 0 : i32
      %dma_wait3A_99 = tpu.memref_slice %arg4[%dma_wait3A_98] : memref<100352xf32, #tpu.memory_space<vmem_shared>> -> memref<100352xf32, #tpu.memory_space<vmem_shared>>
      tpu.wait_indirect_dma semaphore(%arg8 : memref<!tpu.dma_semaphore, #tpu.memory_space<semaphore_mem>>) src(%arg6 : memref<2048xf32, #tpu.memory_space<vmem>>) dst(%dma_wait3A_99 : memref<100352xf32, #tpu.memory_space<vmem_shared>>)
      %dma_start3A_100 = arith.constant 1 : i32
      %dma_start3A_101 = arith.constant 0 : i32
      %dma_start3A_102 = tpu.memref_slice %arg5[%dma_start3A_100, %dma_start3A_101] : memref<2x2048xi32, #tpu.memory_space<vmem>> -> memref<1x2048xi32, #tpu.memory_space<vmem>>
      %dma_start3A_103 = tpu.memref_squeeze %dma_start3A_102 : memref<1x2048xi32, #tpu.memory_space<vmem>> -> memref<2048xi32, #tpu.memory_space<vmem>>
      %dma_start3A_104 = arith.constant 0 : i32
      %dma_start3A_105 = tpu.memref_slice %arg4[%dma_start3A_104] : memref<100352xf32, #tpu.memory_space<vmem_shared>> -> memref<100352xf32, #tpu.memory_space<vmem_shared>>
      tpu.enqueue_indirect_dma source(%arg6 : memref<2048xf32, #tpu.memory_space<vmem>>) target(%dma_start3A_105 : memref<100352xf32, #tpu.memory_space<vmem_shared>>) offsets(%dma_start3A_103 : memref<2048xi32, #tpu.memory_space<vmem>>) semaphore(%arg8 : memref<!tpu.dma_semaphore, #tpu.memory_space<semaphore_mem>>) {add = true}
      %add3A_106 = arith.constant 1 : i32
      %add3A_107 = arith.addi %scan3A_80, %add3A_106 : i32
      %lt3A = arith.constant 24 : i32
      %lt3A_108 = arith.cmpi slt, %add3A_107, %lt3A : i32
      %convert_element_type3A = arith.extui %lt3A_108 : i1 to i32
      %cond3A = arith.constant 0 : i32
      %cond3A_109 = arith.cmpi ne, %convert_element_type3A, %cond3A : i32
      scf.if %cond3A_109 {
        %mul3A_116 = arith.constant 2 : i32
        %mul3A_117 = arith.muli %mul3A_116, %scan3A_80 : i32
        %add3A_118 = arith.constant 2 : i32
        %add3A_119 = arith.addi %mul3A_117, %add3A_118 : i32
        %mul3A_120 = arith.constant 2048 : i32
        %mul3A_121 = arith.muli %add3A_119, %mul3A_120 : i32
        %add3A_122 = arith.addi %mul3A_45, %mul3A_121 : i32
        %run_scoped3A_123 = arith.constant 1 : i32
        %run_scoped3A_124 = arith.constant 0 : i32
        "tpu.region"() ({
          %run_scoped3A_125 = tpu.sem_alloc : memref<!tpu.dma_semaphore, #tpu.memory_space<semaphore_mem>>
          %dma_start3A_126 = arith.constant 0 : i32
          %dma_start3A_127 = tpu.memref_slice %arg5[%run_scoped3A_124, %dma_start3A_126] : memref<2x2048xi32, #tpu.memory_space<vmem>> -> memref<1x2048xi32, #tpu.memory_space<vmem>>
          %dma_start3A_128 = tpu.memref_squeeze %dma_start3A_127 : memref<1x2048xi32, #tpu.memory_space<vmem>> -> memref<2048xi32, #tpu.memory_space<vmem>>
          %dma_start3A_129 = tpu.memref_slice %arg2[%run_scoped3A_123, %add3A_122] : memref<2x3200000xi32, #tpu.memory_space<hbm>> -> memref<1x2048xi32, #tpu.memory_space<hbm>>
          %dma_start3A_130 = tpu.memref_squeeze %dma_start3A_129 : memref<1x2048xi32, #tpu.memory_space<hbm>> -> memref<2048xi32, #tpu.memory_space<hbm>>
          %dma_start3A_131 = arith.constant 0 : i32
          %dma_start3A_132 = tpu.memref_slice %arg5[%run_scoped3A_124, %dma_start3A_131] : memref<2x2048xi32, #tpu.memory_space<vmem>> -> memref<1x2048xi32, #tpu.memory_space<vmem>>
          %dma_start3A_133 = tpu.memref_squeeze %dma_start3A_132 : memref<1x2048xi32, #tpu.memory_space<vmem>> -> memref<2048xi32, #tpu.memory_space<vmem>>
          %dma_start3A_134 = tpu.memref_slice %arg2[%run_scoped3A_123, %add3A_122] : memref<2x3200000xi32, #tpu.memory_space<hbm>> -> memref<1x2048xi32, #tpu.memory_space<hbm>>
          %dma_start3A_135 = tpu.memref_squeeze %dma_start3A_134 : memref<1x2048xi32, #tpu.memory_space<hbm>> -> memref<2048xi32, #tpu.memory_space<hbm>>
          tpu.enqueue_dma source(%dma_start3A_135 : memref<2048xi32, #tpu.memory_space<hbm>>) target(%dma_start3A_133 : memref<2048xi32, #tpu.memory_space<vmem>>) target_semaphore(%run_scoped3A_125 : memref<!tpu.dma_semaphore, #tpu.memory_space<semaphore_mem>>)
          %dma_wait3A_136 = arith.constant 0 : i32
          %dma_wait3A_137 = tpu.memref_slice %arg5[%run_scoped3A_124, %dma_wait3A_136] : memref<2x2048xi32, #tpu.memory_space<vmem>> -> memref<1x2048xi32, #tpu.memory_space<vmem>>
          %dma_wait3A_138 = tpu.memref_squeeze %dma_wait3A_137 : memref<1x2048xi32, #tpu.memory_space<vmem>> -> memref<2048xi32, #tpu.memory_space<vmem>>
          %dma_wait3A_139 = tpu.memref_slice %arg2[%run_scoped3A_123, %add3A_122] : memref<2x3200000xi32, #tpu.memory_space<hbm>> -> memref<1x2048xi32, #tpu.memory_space<hbm>>
          %dma_wait3A_140 = tpu.memref_squeeze %dma_wait3A_139 : memref<1x2048xi32, #tpu.memory_space<hbm>> -> memref<2048xi32, #tpu.memory_space<hbm>>
          %dma_wait3A_141 = arith.constant 0 : i32
          %dma_wait3A_142 = tpu.memref_slice %arg5[%run_scoped3A_124, %dma_wait3A_141] : memref<2x2048xi32, #tpu.memory_space<vmem>> -> memref<1x2048xi32, #tpu.memory_space<vmem>>
          %dma_wait3A_143 = tpu.memref_squeeze %dma_wait3A_142 : memref<1x2048xi32, #tpu.memory_space<vmem>> -> memref<2048xi32, #tpu.memory_space<vmem>>
          %dma_wait3A_144 = tpu.memref_slice %arg2[%run_scoped3A_123, %add3A_122] : memref<2x3200000xi32, #tpu.memory_space<hbm>> -> memref<1x2048xi32, #tpu.memory_space<hbm>>
          %dma_wait3A_145 = tpu.memref_squeeze %dma_wait3A_144 : memref<1x2048xi32, #tpu.memory_space<hbm>> -> memref<2048xi32, #tpu.memory_space<hbm>>
          tpu.wait_dma2 semaphore(%run_scoped3A_125 : memref<!tpu.dma_semaphore, #tpu.memory_space<semaphore_mem>>) src(%dma_wait3A_145 : memref<2048xi32, #tpu.memory_space<hbm>>) dst(%dma_wait3A_143 : memref<2048xi32, #tpu.memory_space<vmem>>)
          tpu.yield
        }) : () -> ()
      } else {
      }
      %dma_wait3A_110 = arith.constant 1 : i32
      %dma_wait3A_111 = arith.constant 0 : i32
      %dma_wait3A_112 = tpu.memref_slice %arg5[%dma_wait3A_110, %dma_wait3A_111] : memref<2x2048xi32, #tpu.memory_space<vmem>> -> memref<1x2048xi32, #tpu.memory_space<vmem>>
      %dma_wait3A_113 = tpu.memref_squeeze %dma_wait3A_112 : memref<1x2048xi32, #tpu.memory_space<vmem>> -> memref<2048xi32, #tpu.memory_space<vmem>>
      %dma_wait3A_114 = arith.constant 0 : i32
      %dma_wait3A_115 = tpu.memref_slice %arg4[%dma_wait3A_114] : memref<100352xf32, #tpu.memory_space<vmem_shared>> -> memref<100352xf32, #tpu.memory_space<vmem_shared>>
      tpu.wait_indirect_dma semaphore(%arg8 : memref<!tpu.dma_semaphore, #tpu.memory_space<semaphore_mem>>) src(%arg6 : memref<2048xf32, #tpu.memory_space<vmem>>) dst(%dma_wait3A_115 : memref<100352xf32, #tpu.memory_space<vmem_shared>>)
    }
    %scan3A_54 = arith.constant 24 : i32
    %add3A_55 = arith.constant 98304 : i32
    %add3A_56 = arith.addi %mul3A_45, %add3A_55 : i32
    %run_scoped3A_57 = arith.constant 1 : i32
    %run_scoped3A_58 = arith.constant 0 : i32
    "tpu.region"() ({
      %run_scoped3A_80 = tpu.sem_alloc : memref<!tpu.dma_semaphore, #tpu.memory_space<semaphore_mem>>
      %dma_start3A = arith.constant 0 : i32
      %dma_start3A_81 = tpu.memref_slice %arg5[%run_scoped3A_58, %dma_start3A] : memref<2x2048xi32, #tpu.memory_space<vmem>> -> memref<1x1024xi32, #tpu.memory_space<vmem>>
      %dma_start3A_82 = tpu.memref_squeeze %dma_start3A_81 : memref<1x1024xi32, #tpu.memory_space<vmem>> -> memref<1024xi32, #tpu.memory_space<vmem>>
      %dma_start3A_83 = tpu.memref_slice %arg2[%run_scoped3A_57, %add3A_56] : memref<2x3200000xi32, #tpu.memory_space<hbm>> -> memref<1x1024xi32, #tpu.memory_space<hbm>>
      %dma_start3A_84 = tpu.memref_squeeze %dma_start3A_83 : memref<1x1024xi32, #tpu.memory_space<hbm>> -> memref<1024xi32, #tpu.memory_space<hbm>>
      %dma_start3A_85 = arith.constant 0 : i32
      %dma_start3A_86 = tpu.memref_slice %arg5[%run_scoped3A_58, %dma_start3A_85] : memref<2x2048xi32, #tpu.memory_space<vmem>> -> memref<1x1024xi32, #tpu.memory_space<vmem>>
      %dma_start3A_87 = tpu.memref_squeeze %dma_start3A_86 : memref<1x1024xi32, #tpu.memory_space<vmem>> -> memref<1024xi32, #tpu.memory_space<vmem>>
      %dma_start3A_88 = tpu.memref_slice %arg2[%run_scoped3A_57, %add3A_56] : memref<2x3200000xi32, #tpu.memory_space<hbm>> -> memref<1x1024xi32, #tpu.memory_space<hbm>>
      %dma_start3A_89 = tpu.memref_squeeze %dma_start3A_88 : memref<1x1024xi32, #tpu.memory_space<hbm>> -> memref<1024xi32, #tpu.memory_space<hbm>>
      tpu.enqueue_dma source(%dma_start3A_89 : memref<1024xi32, #tpu.memory_space<hbm>>) target(%dma_start3A_87 : memref<1024xi32, #tpu.memory_space<vmem>>) target_semaphore(%run_scoped3A_80 : memref<!tpu.dma_semaphore, #tpu.memory_space<semaphore_mem>>)
      %dma_wait3A = arith.constant 0 : i32
      %dma_wait3A_90 = tpu.memref_slice %arg5[%run_scoped3A_58, %dma_wait3A] : memref<2x2048xi32, #tpu.memory_space<vmem>> -> memref<1x1024xi32, #tpu.memory_space<vmem>>
      %dma_wait3A_91 = tpu.memref_squeeze %dma_wait3A_90 : memref<1x1024xi32, #tpu.memory_space<vmem>> -> memref<1024xi32, #tpu.memory_space<vmem>>
      %dma_wait3A_92 = tpu.memref_slice %arg2[%run_scoped3A_57, %add3A_56] : memref<2x3200000xi32, #tpu.memory_space<hbm>> -> memref<1x1024xi32, #tpu.memory_space<hbm>>
      %dma_wait3A_93 = tpu.memref_squeeze %dma_wait3A_92 : memref<1x1024xi32, #tpu.memory_space<hbm>> -> memref<1024xi32, #tpu.memory_space<hbm>>
      %dma_wait3A_94 = arith.constant 0 : i32
      %dma_wait3A_95 = tpu.memref_slice %arg5[%run_scoped3A_58, %dma_wait3A_94] : memref<2x2048xi32, #tpu.memory_space<vmem>> -> memref<1x1024xi32, #tpu.memory_space<vmem>>
      %dma_wait3A_96 = tpu.memref_squeeze %dma_wait3A_95 : memref<1x1024xi32, #tpu.memory_space<vmem>> -> memref<1024xi32, #tpu.memory_space<vmem>>
      %dma_wait3A_97 = tpu.memref_slice %arg2[%run_scoped3A_57, %add3A_56] : memref<2x3200000xi32, #tpu.memory_space<hbm>> -> memref<1x1024xi32, #tpu.memory_space<hbm>>
      %dma_wait3A_98 = tpu.memref_squeeze %dma_wait3A_97 : memref<1x1024xi32, #tpu.memory_space<hbm>> -> memref<1024xi32, #tpu.memory_space<hbm>>
      tpu.wait_dma2 semaphore(%run_scoped3A_80 : memref<!tpu.dma_semaphore, #tpu.memory_space<semaphore_mem>>) src(%dma_wait3A_98 : memref<1024xi32, #tpu.memory_space<hbm>>) dst(%dma_wait3A_96 : memref<1024xi32, #tpu.memory_space<vmem>>)
      tpu.yield
    }) : () -> ()
    %run_scoped3A_59 = arith.constant 0 : i32
    "tpu.region"() ({
      %run_scoped3A_80 = tpu.sem_alloc : memref<!tpu.dma_semaphore, #tpu.memory_space<semaphore_mem>>
      %dma_start3A = arith.constant 0 : i32
      %dma_start3A_81 = tpu.memref_slice %arg6[%dma_start3A] : memref<2048xf32, #tpu.memory_space<vmem>> -> memref<1024xf32, #tpu.memory_space<vmem>>
      %dma_start3A_82 = arith.constant 0 : i32
      %dma_start3A_83 = tpu.memref_slice %arg5[%run_scoped3A_59, %dma_start3A_82] : memref<2x2048xi32, #tpu.memory_space<vmem>> -> memref<1x1024xi32, #tpu.memory_space<vmem>>
      %dma_start3A_84 = tpu.memref_squeeze %dma_start3A_83 : memref<1x1024xi32, #tpu.memory_space<vmem>> -> memref<1024xi32, #tpu.memory_space<vmem>>
      %dma_start3A_85 = arith.constant 0 : i32
      %dma_start3A_86 = tpu.memref_slice %arg4[%dma_start3A_85] : memref<100352xf32, #tpu.memory_space<vmem_shared>> -> memref<100352xf32, #tpu.memory_space<vmem_shared>>
      tpu.enqueue_indirect_dma source(%dma_start3A_81 : memref<1024xf32, #tpu.memory_space<vmem>>) target(%dma_start3A_86 : memref<100352xf32, #tpu.memory_space<vmem_shared>>) offsets(%dma_start3A_84 : memref<1024xi32, #tpu.memory_space<vmem>>) semaphore(%run_scoped3A_80 : memref<!tpu.dma_semaphore, #tpu.memory_space<semaphore_mem>>) {add = true}
      %dma_wait3A = arith.constant 0 : i32
      %dma_wait3A_87 = tpu.memref_slice %arg6[%dma_wait3A] : memref<2048xf32, #tpu.memory_space<vmem>> -> memref<1024xf32, #tpu.memory_space<vmem>>
      %dma_wait3A_88 = arith.constant 0 : i32
      %dma_wait3A_89 = tpu.memref_slice %arg5[%run_scoped3A_59, %dma_wait3A_88] : memref<2x2048xi32, #tpu.memory_space<vmem>> -> memref<1x1024xi32, #tpu.memory_space<vmem>>
      %dma_wait3A_90 = tpu.memref_squeeze %dma_wait3A_89 : memref<1x1024xi32, #tpu.memory_space<vmem>> -> memref<1024xi32, #tpu.memory_space<vmem>>
      %dma_wait3A_91 = arith.constant 0 : i32
      %dma_wait3A_92 = tpu.memref_slice %arg4[%dma_wait3A_91] : memref<100352xf32, #tpu.memory_space<vmem_shared>> -> memref<100352xf32, #tpu.memory_space<vmem_shared>>
      tpu.wait_indirect_dma semaphore(%run_scoped3A_80 : memref<!tpu.dma_semaphore, #tpu.memory_space<semaphore_mem>>) src(%dma_wait3A_87 : memref<1024xf32, #tpu.memory_space<vmem>>) dst(%dma_wait3A_92 : memref<100352xf32, #tpu.memory_space<vmem_shared>>)
      tpu.yield
    }) : () -> ()
    %add3A_60 = arith.constant 99328 : i32
    %add3A_61 = arith.addi %mul3A_45, %add3A_60 : i32
    %run_scoped3A_62 = arith.constant 1 : i32
    %run_scoped3A_63 = arith.constant 0 : i32
    "tpu.region"() ({
      %run_scoped3A_80 = tpu.sem_alloc : memref<!tpu.dma_semaphore, #tpu.memory_space<semaphore_mem>>
      %dma_start3A = arith.constant 0 : i32
      %dma_start3A_81 = tpu.memref_slice %arg5[%run_scoped3A_63, %dma_start3A] : memref<2x2048xi32, #tpu.memory_space<vmem>> -> memref<1x512xi32, #tpu.memory_space<vmem>>
      %dma_start3A_82 = tpu.memref_squeeze %dma_start3A_81 : memref<1x512xi32, #tpu.memory_space<vmem>> -> memref<512xi32, #tpu.memory_space<vmem>>
      %dma_start3A_83 = tpu.memref_slice %arg2[%run_scoped3A_62, %add3A_61] : memref<2x3200000xi32, #tpu.memory_space<hbm>> -> memref<1x512xi32, #tpu.memory_space<hbm>>
      %dma_start3A_84 = tpu.memref_squeeze %dma_start3A_83 : memref<1x512xi32, #tpu.memory_space<hbm>> -> memref<512xi32, #tpu.memory_space<hbm>>
      %dma_start3A_85 = arith.constant 0 : i32
      %dma_start3A_86 = tpu.memref_slice %arg5[%run_scoped3A_63, %dma_start3A_85] : memref<2x2048xi32, #tpu.memory_space<vmem>> -> memref<1x512xi32, #tpu.memory_space<vmem>>
      %dma_start3A_87 = tpu.memref_squeeze %dma_start3A_86 : memref<1x512xi32, #tpu.memory_space<vmem>> -> memref<512xi32, #tpu.memory_space<vmem>>
      %dma_start3A_88 = tpu.memref_slice %arg2[%run_scoped3A_62, %add3A_61] : memref<2x3200000xi32, #tpu.memory_space<hbm>> -> memref<1x512xi32, #tpu.memory_space<hbm>>
      %dma_start3A_89 = tpu.memref_squeeze %dma_start3A_88 : memref<1x512xi32, #tpu.memory_space<hbm>> -> memref<512xi32, #tpu.memory_space<hbm>>
      tpu.enqueue_dma source(%dma_start3A_89 : memref<512xi32, #tpu.memory_space<hbm>>) target(%dma_start3A_87 : memref<512xi32, #tpu.memory_space<vmem>>) target_semaphore(%run_scoped3A_80 : memref<!tpu.dma_semaphore, #tpu.memory_space<semaphore_mem>>)
      %dma_wait3A = arith.constant 0 : i32
      %dma_wait3A_90 = tpu.memref_slice %arg5[%run_scoped3A_63, %dma_wait3A] : memref<2x2048xi32, #tpu.memory_space<vmem>> -> memref<1x512xi32, #tpu.memory_space<vmem>>
      %dma_wait3A_91 = tpu.memref_squeeze %dma_wait3A_90 : memref<1x512xi32, #tpu.memory_space<vmem>> -> memref<512xi32, #tpu.memory_space<vmem>>
      %dma_wait3A_92 = tpu.memref_slice %arg2[%run_scoped3A_62, %add3A_61] : memref<2x3200000xi32, #tpu.memory_space<hbm>> -> memref<1x512xi32, #tpu.memory_space<hbm>>
      %dma_wait3A_93 = tpu.memref_squeeze %dma_wait3A_92 : memref<1x512xi32, #tpu.memory_space<hbm>> -> memref<512xi32, #tpu.memory_space<hbm>>
      %dma_wait3A_94 = arith.constant 0 : i32
      %dma_wait3A_95 = tpu.memref_slice %arg5[%run_scoped3A_63, %dma_wait3A_94] : memref<2x2048xi32, #tpu.memory_space<vmem>> -> memref<1x512xi32, #tpu.memory_space<vmem>>
      %dma_wait3A_96 = tpu.memref_squeeze %dma_wait3A_95 : memref<1x512xi32, #tpu.memory_space<vmem>> -> memref<512xi32, #tpu.memory_space<vmem>>
      %dma_wait3A_97 = tpu.memref_slice %arg2[%run_scoped3A_62, %add3A_61] : memref<2x3200000xi32, #tpu.memory_space<hbm>> -> memref<1x512xi32, #tpu.memory_space<hbm>>
      %dma_wait3A_98 = tpu.memref_squeeze %dma_wait3A_97 : memref<1x512xi32, #tpu.memory_space<hbm>> -> memref<512xi32, #tpu.memory_space<hbm>>
      tpu.wait_dma2 semaphore(%run_scoped3A_80 : memref<!tpu.dma_semaphore, #tpu.memory_space<semaphore_mem>>) src(%dma_wait3A_98 : memref<512xi32, #tpu.memory_space<hbm>>) dst(%dma_wait3A_96 : memref<512xi32, #tpu.memory_space<vmem>>)
      tpu.yield
    }) : () -> ()
    %run_scoped3A_64 = arith.constant 0 : i32
    "tpu.region"() ({
      %run_scoped3A_80 = tpu.sem_alloc : memref<!tpu.dma_semaphore, #tpu.memory_space<semaphore_mem>>
      %dma_start3A = arith.constant 0 : i32
      %dma_start3A_81 = tpu.memref_slice %arg6[%dma_start3A] : memref<2048xf32, #tpu.memory_space<vmem>> -> memref<512xf32, #tpu.memory_space<vmem>>
      %dma_start3A_82 = arith.constant 0 : i32
      %dma_start3A_83 = tpu.memref_slice %arg5[%run_scoped3A_64, %dma_start3A_82] : memref<2x2048xi32, #tpu.memory_space<vmem>> -> memref<1x512xi32, #tpu.memory_space<vmem>>
      %dma_start3A_84 = tpu.memref_squeeze %dma_start3A_83 : memref<1x512xi32, #tpu.memory_space<vmem>> -> memref<512xi32, #tpu.memory_space<vmem>>
      %dma_start3A_85 = arith.constant 0 : i32
      %dma_start3A_86 = tpu.memref_slice %arg4[%dma_start3A_85] : memref<100352xf32, #tpu.memory_space<vmem_shared>> -> memref<100352xf32, #tpu.memory_space<vmem_shared>>
      tpu.enqueue_indirect_dma source(%dma_start3A_81 : memref<512xf32, #tpu.memory_space<vmem>>) target(%dma_start3A_86 : memref<100352xf32, #tpu.memory_space<vmem_shared>>) offsets(%dma_start3A_84 : memref<512xi32, #tpu.memory_space<vmem>>) semaphore(%run_scoped3A_80 : memref<!tpu.dma_semaphore, #tpu.memory_space<semaphore_mem>>) {add = true}
      %dma_wait3A = arith.constant 0 : i32
      %dma_wait3A_87 = tpu.memref_slice %arg6[%dma_wait3A] : memref<2048xf32, #tpu.memory_space<vmem>> -> memref<512xf32, #tpu.memory_space<vmem>>
      %dma_wait3A_88 = arith.constant 0 : i32
      %dma_wait3A_89 = tpu.memref_slice %arg5[%run_scoped3A_64, %dma_wait3A_88] : memref<2x2048xi32, #tpu.memory_space<vmem>> -> memref<1x512xi32, #tpu.memory_space<vmem>>
      %dma_wait3A_90 = tpu.memref_squeeze %dma_wait3A_89 : memref<1x512xi32, #tpu.memory_space<vmem>> -> memref<512xi32, #tpu.memory_space<vmem>>
      %dma_wait3A_91 = arith.constant 0 : i32
      %dma_wait3A_92 = tpu.memref_slice %arg4[%dma_wait3A_91] : memref<100352xf32, #tpu.memory_space<vmem_shared>> -> memref<100352xf32, #tpu.memory_space<vmem_shared>>
      tpu.wait_indirect_dma semaphore(%run_scoped3A_80 : memref<!tpu.dma_semaphore, #tpu.memory_space<semaphore_mem>>) src(%dma_wait3A_87 : memref<512xf32, #tpu.memory_space<vmem>>) dst(%dma_wait3A_92 : memref<100352xf32, #tpu.memory_space<vmem_shared>>)
      tpu.yield
    }) : () -> ()
    %add3A_65 = arith.constant 99840 : i32
    %add3A_66 = arith.addi %mul3A_45, %add3A_65 : i32
    %run_scoped3A_67 = arith.constant 1 : i32
    %run_scoped3A_68 = arith.constant 0 : i32
    "tpu.region"() ({
      %run_scoped3A_80 = tpu.sem_alloc : memref<!tpu.dma_semaphore, #tpu.memory_space<semaphore_mem>>
      %dma_start3A = arith.constant 0 : i32
      %dma_start3A_81 = tpu.memref_slice %arg5[%run_scoped3A_68, %dma_start3A] : memref<2x2048xi32, #tpu.memory_space<vmem>> -> memref<1x128xi32, #tpu.memory_space<vmem>>
      %dma_start3A_82 = tpu.memref_squeeze %dma_start3A_81 : memref<1x128xi32, #tpu.memory_space<vmem>> -> memref<128xi32, #tpu.memory_space<vmem>>
      %dma_start3A_83 = tpu.memref_slice %arg2[%run_scoped3A_67, %add3A_66] : memref<2x3200000xi32, #tpu.memory_space<hbm>> -> memref<1x128xi32, #tpu.memory_space<hbm>>
      %dma_start3A_84 = tpu.memref_squeeze %dma_start3A_83 : memref<1x128xi32, #tpu.memory_space<hbm>> -> memref<128xi32, #tpu.memory_space<hbm>>
      %dma_start3A_85 = arith.constant 0 : i32
      %dma_start3A_86 = tpu.memref_slice %arg5[%run_scoped3A_68, %dma_start3A_85] : memref<2x2048xi32, #tpu.memory_space<vmem>> -> memref<1x128xi32, #tpu.memory_space<vmem>>
      %dma_start3A_87 = tpu.memref_squeeze %dma_start3A_86 : memref<1x128xi32, #tpu.memory_space<vmem>> -> memref<128xi32, #tpu.memory_space<vmem>>
      %dma_start3A_88 = tpu.memref_slice %arg2[%run_scoped3A_67, %add3A_66] : memref<2x3200000xi32, #tpu.memory_space<hbm>> -> memref<1x128xi32, #tpu.memory_space<hbm>>
      %dma_start3A_89 = tpu.memref_squeeze %dma_start3A_88 : memref<1x128xi32, #tpu.memory_space<hbm>> -> memref<128xi32, #tpu.memory_space<hbm>>
      tpu.enqueue_dma source(%dma_start3A_89 : memref<128xi32, #tpu.memory_space<hbm>>) target(%dma_start3A_87 : memref<128xi32, #tpu.memory_space<vmem>>) target_semaphore(%run_scoped3A_80 : memref<!tpu.dma_semaphore, #tpu.memory_space<semaphore_mem>>)
      %dma_wait3A = arith.constant 0 : i32
      %dma_wait3A_90 = tpu.memref_slice %arg5[%run_scoped3A_68, %dma_wait3A] : memref<2x2048xi32, #tpu.memory_space<vmem>> -> memref<1x128xi32, #tpu.memory_space<vmem>>
      %dma_wait3A_91 = tpu.memref_squeeze %dma_wait3A_90 : memref<1x128xi32, #tpu.memory_space<vmem>> -> memref<128xi32, #tpu.memory_space<vmem>>
      %dma_wait3A_92 = tpu.memref_slice %arg2[%run_scoped3A_67, %add3A_66] : memref<2x3200000xi32, #tpu.memory_space<hbm>> -> memref<1x128xi32, #tpu.memory_space<hbm>>
      %dma_wait3A_93 = tpu.memref_squeeze %dma_wait3A_92 : memref<1x128xi32, #tpu.memory_space<hbm>> -> memref<128xi32, #tpu.memory_space<hbm>>
      %dma_wait3A_94 = arith.constant 0 : i32
      %dma_wait3A_95 = tpu.memref_slice %arg5[%run_scoped3A_68, %dma_wait3A_94] : memref<2x2048xi32, #tpu.memory_space<vmem>> -> memref<1x128xi32, #tpu.memory_space<vmem>>
      %dma_wait3A_96 = tpu.memref_squeeze %dma_wait3A_95 : memref<1x128xi32, #tpu.memory_space<vmem>> -> memref<128xi32, #tpu.memory_space<vmem>>
      %dma_wait3A_97 = tpu.memref_slice %arg2[%run_scoped3A_67, %add3A_66] : memref<2x3200000xi32, #tpu.memory_space<hbm>> -> memref<1x128xi32, #tpu.memory_space<hbm>>
      %dma_wait3A_98 = tpu.memref_squeeze %dma_wait3A_97 : memref<1x128xi32, #tpu.memory_space<hbm>> -> memref<128xi32, #tpu.memory_space<hbm>>
      tpu.wait_dma2 semaphore(%run_scoped3A_80 : memref<!tpu.dma_semaphore, #tpu.memory_space<semaphore_mem>>) src(%dma_wait3A_98 : memref<128xi32, #tpu.memory_space<hbm>>) dst(%dma_wait3A_96 : memref<128xi32, #tpu.memory_space<vmem>>)
      tpu.yield
    }) : () -> ()
    %run_scoped3A_69 = arith.constant 0 : i32
    "tpu.region"() ({
      %run_scoped3A_80 = tpu.sem_alloc : memref<!tpu.dma_semaphore, #tpu.memory_space<semaphore_mem>>
      %dma_start3A = arith.constant 0 : i32
      %dma_start3A_81 = tpu.memref_slice %arg6[%dma_start3A] : memref<2048xf32, #tpu.memory_space<vmem>> -> memref<128xf32, #tpu.memory_space<vmem>>
      %dma_start3A_82 = arith.constant 0 : i32
      %dma_start3A_83 = tpu.memref_slice %arg5[%run_scoped3A_69, %dma_start3A_82] : memref<2x2048xi32, #tpu.memory_space<vmem>> -> memref<1x128xi32, #tpu.memory_space<vmem>>
      %dma_start3A_84 = tpu.memref_squeeze %dma_start3A_83 : memref<1x128xi32, #tpu.memory_space<vmem>> -> memref<128xi32, #tpu.memory_space<vmem>>
      %dma_start3A_85 = arith.constant 0 : i32
      %dma_start3A_86 = tpu.memref_slice %arg4[%dma_start3A_85] : memref<100352xf32, #tpu.memory_space<vmem_shared>> -> memref<100352xf32, #tpu.memory_space<vmem_shared>>
      tpu.enqueue_indirect_dma source(%dma_start3A_81 : memref<128xf32, #tpu.memory_space<vmem>>) target(%dma_start3A_86 : memref<100352xf32, #tpu.memory_space<vmem_shared>>) offsets(%dma_start3A_84 : memref<128xi32, #tpu.memory_space<vmem>>) semaphore(%run_scoped3A_80 : memref<!tpu.dma_semaphore, #tpu.memory_space<semaphore_mem>>) {add = true}
      %dma_wait3A = arith.constant 0 : i32
      %dma_wait3A_87 = tpu.memref_slice %arg6[%dma_wait3A] : memref<2048xf32, #tpu.memory_space<vmem>> -> memref<128xf32, #tpu.memory_space<vmem>>
      %dma_wait3A_88 = arith.constant 0 : i32
      %dma_wait3A_89 = tpu.memref_slice %arg5[%run_scoped3A_69, %dma_wait3A_88] : memref<2x2048xi32, #tpu.memory_space<vmem>> -> memref<1x128xi32, #tpu.memory_space<vmem>>
      %dma_wait3A_90 = tpu.memref_squeeze %dma_wait3A_89 : memref<1x128xi32, #tpu.memory_space<vmem>> -> memref<128xi32, #tpu.memory_space<vmem>>
      %dma_wait3A_91 = arith.constant 0 : i32
      %dma_wait3A_92 = tpu.memref_slice %arg4[%dma_wait3A_91] : memref<100352xf32, #tpu.memory_space<vmem_shared>> -> memref<100352xf32, #tpu.memory_space<vmem_shared>>
      tpu.wait_indirect_dma semaphore(%run_scoped3A_80 : memref<!tpu.dma_semaphore, #tpu.memory_space<semaphore_mem>>) src(%dma_wait3A_87 : memref<128xf32, #tpu.memory_space<vmem>>) dst(%dma_wait3A_92 : memref<100352xf32, #tpu.memory_space<vmem_shared>>)
      tpu.yield
    }) : () -> ()
    %add3A_70 = arith.constant 99968 : i32
    %add3A_71 = arith.addi %mul3A_45, %add3A_70 : i32
    %run_scoped3A_72 = arith.constant 1 : i32
    %run_scoped3A_73 = arith.constant 0 : i32
    "tpu.region"() ({
      %run_scoped3A_80 = tpu.sem_alloc : memref<!tpu.dma_semaphore, #tpu.memory_space<semaphore_mem>>
      %dma_start3A = arith.constant 0 : i32
      %dma_start3A_81 = tpu.memref_slice %arg5[%run_scoped3A_73, %dma_start3A] : memref<2x2048xi32, #tpu.memory_space<vmem>> -> memref<1x32xi32, #tpu.memory_space<vmem>>
      %dma_start3A_82 = tpu.memref_squeeze %dma_start3A_81 : memref<1x32xi32, #tpu.memory_space<vmem>> -> memref<32xi32, #tpu.memory_space<vmem>>
      %dma_start3A_83 = tpu.memref_slice %arg2[%run_scoped3A_72, %add3A_71] : memref<2x3200000xi32, #tpu.memory_space<hbm>> -> memref<1x32xi32, #tpu.memory_space<hbm>>
      %dma_start3A_84 = tpu.memref_squeeze %dma_start3A_83 : memref<1x32xi32, #tpu.memory_space<hbm>> -> memref<32xi32, #tpu.memory_space<hbm>>
      %dma_start3A_85 = arith.constant 0 : i32
      %dma_start3A_86 = tpu.memref_slice %arg5[%run_scoped3A_73, %dma_start3A_85] : memref<2x2048xi32, #tpu.memory_space<vmem>> -> memref<1x32xi32, #tpu.memory_space<vmem>>
      %dma_start3A_87 = tpu.memref_squeeze %dma_start3A_86 : memref<1x32xi32, #tpu.memory_space<vmem>> -> memref<32xi32, #tpu.memory_space<vmem>>
      %dma_start3A_88 = tpu.memref_slice %arg2[%run_scoped3A_72, %add3A_71] : memref<2x3200000xi32, #tpu.memory_space<hbm>> -> memref<1x32xi32, #tpu.memory_space<hbm>>
      %dma_start3A_89 = tpu.memref_squeeze %dma_start3A_88 : memref<1x32xi32, #tpu.memory_space<hbm>> -> memref<32xi32, #tpu.memory_space<hbm>>
      tpu.enqueue_dma source(%dma_start3A_89 : memref<32xi32, #tpu.memory_space<hbm>>) target(%dma_start3A_87 : memref<32xi32, #tpu.memory_space<vmem>>) target_semaphore(%run_scoped3A_80 : memref<!tpu.dma_semaphore, #tpu.memory_space<semaphore_mem>>)
      %dma_wait3A = arith.constant 0 : i32
      %dma_wait3A_90 = tpu.memref_slice %arg5[%run_scoped3A_73, %dma_wait3A] : memref<2x2048xi32, #tpu.memory_space<vmem>> -> memref<1x32xi32, #tpu.memory_space<vmem>>
      %dma_wait3A_91 = tpu.memref_squeeze %dma_wait3A_90 : memref<1x32xi32, #tpu.memory_space<vmem>> -> memref<32xi32, #tpu.memory_space<vmem>>
      %dma_wait3A_92 = tpu.memref_slice %arg2[%run_scoped3A_72, %add3A_71] : memref<2x3200000xi32, #tpu.memory_space<hbm>> -> memref<1x32xi32, #tpu.memory_space<hbm>>
      %dma_wait3A_93 = tpu.memref_squeeze %dma_wait3A_92 : memref<1x32xi32, #tpu.memory_space<hbm>> -> memref<32xi32, #tpu.memory_space<hbm>>
      %dma_wait3A_94 = arith.constant 0 : i32
      %dma_wait3A_95 = tpu.memref_slice %arg5[%run_scoped3A_73, %dma_wait3A_94] : memref<2x2048xi32, #tpu.memory_space<vmem>> -> memref<1x32xi32, #tpu.memory_space<vmem>>
      %dma_wait3A_96 = tpu.memref_squeeze %dma_wait3A_95 : memref<1x32xi32, #tpu.memory_space<vmem>> -> memref<32xi32, #tpu.memory_space<vmem>>
      %dma_wait3A_97 = tpu.memref_slice %arg2[%run_scoped3A_72, %add3A_71] : memref<2x3200000xi32, #tpu.memory_space<hbm>> -> memref<1x32xi32, #tpu.memory_space<hbm>>
      %dma_wait3A_98 = tpu.memref_squeeze %dma_wait3A_97 : memref<1x32xi32, #tpu.memory_space<hbm>> -> memref<32xi32, #tpu.memory_space<hbm>>
      tpu.wait_dma2 semaphore(%run_scoped3A_80 : memref<!tpu.dma_semaphore, #tpu.memory_space<semaphore_mem>>) src(%dma_wait3A_98 : memref<32xi32, #tpu.memory_space<hbm>>) dst(%dma_wait3A_96 : memref<32xi32, #tpu.memory_space<vmem>>)
      tpu.yield
    }) : () -> ()
    %run_scoped3A_74 = arith.constant 0 : i32
    "tpu.region"() ({
      %run_scoped3A_80 = tpu.sem_alloc : memref<!tpu.dma_semaphore, #tpu.memory_space<semaphore_mem>>
      %dma_start3A = arith.constant 0 : i32
      %dma_start3A_81 = tpu.memref_slice %arg6[%dma_start3A] : memref<2048xf32, #tpu.memory_space<vmem>> -> memref<32xf32, #tpu.memory_space<vmem>>
      %dma_start3A_82 = arith.constant 0 : i32
      %dma_start3A_83 = tpu.memref_slice %arg5[%run_scoped3A_74, %dma_start3A_82] : memref<2x2048xi32, #tpu.memory_space<vmem>> -> memref<1x32xi32, #tpu.memory_space<vmem>>
      %dma_start3A_84 = tpu.memref_squeeze %dma_start3A_83 : memref<1x32xi32, #tpu.memory_space<vmem>> -> memref<32xi32, #tpu.memory_space<vmem>>
      %dma_start3A_85 = arith.constant 0 : i32
      %dma_start3A_86 = tpu.memref_slice %arg4[%dma_start3A_85] : memref<100352xf32, #tpu.memory_space<vmem_shared>> -> memref<100352xf32, #tpu.memory_space<vmem_shared>>
      tpu.enqueue_indirect_dma source(%dma_start3A_81 : memref<32xf32, #tpu.memory_space<vmem>>) target(%dma_start3A_86 : memref<100352xf32, #tpu.memory_space<vmem_shared>>) offsets(%dma_start3A_84 : memref<32xi32, #tpu.memory_space<vmem>>) semaphore(%run_scoped3A_80 : memref<!tpu.dma_semaphore, #tpu.memory_space<semaphore_mem>>) {add = true}
      %dma_wait3A = arith.constant 0 : i32
      %dma_wait3A_87 = tpu.memref_slice %arg6[%dma_wait3A] : memref<2048xf32, #tpu.memory_space<vmem>> -> memref<32xf32, #tpu.memory_space<vmem>>
      %dma_wait3A_88 = arith.constant 0 : i32
      %dma_wait3A_89 = tpu.memref_slice %arg5[%run_scoped3A_74, %dma_wait3A_88] : memref<2x2048xi32, #tpu.memory_space<vmem>> -> memref<1x32xi32, #tpu.memory_space<vmem>>
      %dma_wait3A_90 = tpu.memref_squeeze %dma_wait3A_89 : memref<1x32xi32, #tpu.memory_space<vmem>> -> memref<32xi32, #tpu.memory_space<vmem>>
      %dma_wait3A_91 = arith.constant 0 : i32
      %dma_wait3A_92 = tpu.memref_slice %arg4[%dma_wait3A_91] : memref<100352xf32, #tpu.memory_space<vmem_shared>> -> memref<100352xf32, #tpu.memory_space<vmem_shared>>
      tpu.wait_indirect_dma semaphore(%run_scoped3A_80 : memref<!tpu.dma_semaphore, #tpu.memory_space<semaphore_mem>>) src(%dma_wait3A_87 : memref<32xf32, #tpu.memory_space<vmem>>) dst(%dma_wait3A_92 : memref<100352xf32, #tpu.memory_space<vmem_shared>>)
      tpu.yield
    }) : () -> ()
    %barrier3A_75 = arith.constant 0 : index
    tpu.barrier barrier_id(%barrier3A_75)
    %mul3A_76 = arith.constant 6272 : i32
    %mul3A_77 = arith.muli %arg1, %mul3A_76 : i32
    %mul3A_78 = arith.constant 6272 : i32
    %mul3A_79 = arith.muli %arg1, %mul3A_78 : i32
    "tpu.region"() ({
      %run_scoped3A_80 = tpu.sem_alloc : memref<!tpu.dma_semaphore, #tpu.memory_space<semaphore_mem>>
      %dma_start3A = tpu.memref_slice %arg3[%arg0, %mul3A_79] : memref<2x100352xf32, #tpu.memory_space<hbm>> -> memref<1x6272xf32, #tpu.memory_space<hbm>>
      %dma_start3A_81 = tpu.memref_squeeze %dma_start3A : memref<1x6272xf32, #tpu.memory_space<hbm>> -> memref<6272xf32, #tpu.memory_space<hbm>>
      %dma_start3A_82 = tpu.memref_slice %arg4[%mul3A_77] : memref<100352xf32, #tpu.memory_space<vmem_shared>> -> memref<6272xf32, #tpu.memory_space<vmem_shared>>
      tpu.enqueue_dma source(%dma_start3A_82 : memref<6272xf32, #tpu.memory_space<vmem_shared>>) target(%dma_start3A_81 : memref<6272xf32, #tpu.memory_space<hbm>>) target_semaphore(%run_scoped3A_80 : memref<!tpu.dma_semaphore, #tpu.memory_space<semaphore_mem>>)
      %dma_wait3A = tpu.memref_slice %arg3[%arg0, %mul3A_79] : memref<2x100352xf32, #tpu.memory_space<hbm>> -> memref<1x6272xf32, #tpu.memory_space<hbm>>
      %dma_wait3A_83 = tpu.memref_squeeze %dma_wait3A : memref<1x6272xf32, #tpu.memory_space<hbm>> -> memref<6272xf32, #tpu.memory_space<hbm>>
      %dma_wait3A_84 = tpu.memref_slice %arg4[%mul3A_77] : memref<100352xf32, #tpu.memory_space<vmem_shared>> -> memref<6272xf32, #tpu.memory_space<vmem_shared>>
      tpu.wait_dma2 semaphore(%run_scoped3A_80 : memref<!tpu.dma_semaphore, #tpu.memory_space<semaphore_mem>>) src(%dma_wait3A_84 : memref<6272xf32, #tpu.memory_space<vmem_shared>>) dst(%dma_wait3A_83 : memref<6272xf32, #tpu.memory_space<hbm>>)
      tpu.yield
    }) : () -> ()
    return
  }
}

#map = affine_map<(d0, d1) -> (0, 0)>
#map1 = affine_map<(d0, d1) -> (0, 0, 0)>
module attributes {stable_mosaic.version = 14 : i64} {
  func.func @_sc_aggregate(%arg0: i32, %arg1: i32, %arg2: memref<2x3200000xi32, #tpu.memory_space<hbm>>, %arg3: memref<100352x16xf32, #tpu.memory_space<hbm>>, %arg4: memref<100352x16xf32, #tpu.memory_space<hbm>>, %arg5: memref<2x100352x16xf32, #tpu.memory_space<hbm>>, %arg6: memref<100352x16xf32, #tpu.memory_space<vmem_shared>>, %arg7: memref<2x2x768xi32, #tpu.memory_space<vmem>>, %arg8: memref<2x768x16xf32, #tpu.memory_space<vmem>>, %arg9: memref<!tpu.dma_semaphore, #tpu.memory_space<semaphore_mem>>, %arg10: memref<!tpu.dma_semaphore, #tpu.memory_space<semaphore_mem>>, %arg11: memref<!tpu.dma_semaphore, #tpu.memory_space<semaphore_mem>>) attributes {dimension_semantics = [#tpu.dimension_semantics<core_parallel>, #tpu.dimension_semantics<subcore_parallel>], iteration_bounds = array<i64: 2, 16>, scalar_prefetch = 0 : i64, scratch_operands = 6 : i64, tpu.core_type = #tpu.core_type<sc_vector_subcore>, window_params = [{transform_indices = #map}, {transform_indices = #map}, {transform_indices = #map}, {transform_indices = #map1}]} {
    %mul3A = arith.constant 2 : i32
    %mul3A_0 = arith.muli %arg1, %mul3A : i32
    %add3A = arith.addi %mul3A_0, %arg0 : i32
    %mul3A_1 = arith.constant 6272 : i32
    %mul3A_2 = arith.muli %arg1, %mul3A_1 : i32
    %mul3A_3 = arith.constant 6272 : i32
    %mul3A_4 = arith.muli %arg1, %mul3A_3 : i32
    "tpu.region"() ({
      %run_scoped3A_90 = tpu.sem_alloc : memref<!tpu.dma_semaphore, #tpu.memory_space<semaphore_mem>>
      %dma_start3A_91 = arith.constant 0 : i32
      %dma_start3A_92 = tpu.memref_slice %arg6[%mul3A_4, %dma_start3A_91] : memref<100352x16xf32, #tpu.memory_space<vmem_shared>> -> memref<6272x16xf32, #tpu.memory_space<vmem_shared>>
      %dma_start3A_93 = arith.constant 0 : i32
      %dma_start3A_94 = tpu.memref_slice %arg4[%mul3A_2, %dma_start3A_93] : memref<100352x16xf32, #tpu.memory_space<hbm>> -> memref<6272x16xf32, #tpu.memory_space<hbm>>
      tpu.enqueue_dma source(%dma_start3A_94 : memref<6272x16xf32, #tpu.memory_space<hbm>>) target(%dma_start3A_92 : memref<6272x16xf32, #tpu.memory_space<vmem_shared>>) target_semaphore(%run_scoped3A_90 : memref<!tpu.dma_semaphore, #tpu.memory_space<semaphore_mem>>)
      %dma_wait3A_95 = arith.constant 0 : i32
      %dma_wait3A_96 = tpu.memref_slice %arg6[%mul3A_4, %dma_wait3A_95] : memref<100352x16xf32, #tpu.memory_space<vmem_shared>> -> memref<6272x16xf32, #tpu.memory_space<vmem_shared>>
      %dma_wait3A_97 = arith.constant 0 : i32
      %dma_wait3A_98 = tpu.memref_slice %arg4[%mul3A_2, %dma_wait3A_97] : memref<100352x16xf32, #tpu.memory_space<hbm>> -> memref<6272x16xf32, #tpu.memory_space<hbm>>
      tpu.wait_dma2 semaphore(%run_scoped3A_90 : memref<!tpu.dma_semaphore, #tpu.memory_space<semaphore_mem>>) src(%dma_wait3A_98 : memref<6272x16xf32, #tpu.memory_space<hbm>>) dst(%dma_wait3A_96 : memref<6272x16xf32, #tpu.memory_space<vmem_shared>>)
      tpu.yield
    }) : () -> ()
    %barrier3A = arith.constant 0 : index
    tpu.barrier barrier_id(%barrier3A)
    %mul3A_5 = arith.constant 100000 : i32
    %mul3A_6 = arith.muli %add3A, %mul3A_5 : i32
    %add3A_7 = arith.constant 0 : i32
    %add3A_8 = arith.addi %mul3A_6, %add3A_7 : i32
    %run_scoped3A = arith.constant 0 : i32
    "tpu.region"() ({
      %run_scoped3A_90 = tpu.sem_alloc : memref<!tpu.dma_semaphore, #tpu.memory_space<semaphore_mem>>
      %dma_start3A_91 = arith.constant 0 : i32
      %dma_start3A_92 = arith.constant 0 : i32
      %dma_start3A_93 = tpu.memref_slice %arg7[%run_scoped3A, %dma_start3A_91, %dma_start3A_92] : memref<2x2x768xi32, #tpu.memory_space<vmem>> -> memref<1x2x768xi32, #tpu.memory_space<vmem>>
      %dma_start3A_94 = tpu.memref_squeeze %dma_start3A_93 : memref<1x2x768xi32, #tpu.memory_space<vmem>> -> memref<2x768xi32, #tpu.memory_space<vmem>>
      %dma_start3A_95 = arith.constant 0 : i32
      %dma_start3A_96 = tpu.memref_slice %arg2[%dma_start3A_95, %add3A_8] : memref<2x3200000xi32, #tpu.memory_space<hbm>> -> memref<2x768xi32, #tpu.memory_space<hbm>>
      %dma_start3A_97 = arith.constant 0 : i32
      %dma_start3A_98 = arith.constant 0 : i32
      %dma_start3A_99 = tpu.memref_slice %arg7[%run_scoped3A, %dma_start3A_97, %dma_start3A_98] : memref<2x2x768xi32, #tpu.memory_space<vmem>> -> memref<1x2x768xi32, #tpu.memory_space<vmem>>
      %dma_start3A_100 = tpu.memref_squeeze %dma_start3A_99 : memref<1x2x768xi32, #tpu.memory_space<vmem>> -> memref<2x768xi32, #tpu.memory_space<vmem>>
      %dma_start3A_101 = arith.constant 0 : i32
      %dma_start3A_102 = tpu.memref_slice %arg2[%dma_start3A_101, %add3A_8] : memref<2x3200000xi32, #tpu.memory_space<hbm>> -> memref<2x768xi32, #tpu.memory_space<hbm>>
      tpu.enqueue_dma source(%dma_start3A_102 : memref<2x768xi32, #tpu.memory_space<hbm>>) target(%dma_start3A_100 : memref<2x768xi32, #tpu.memory_space<vmem>>) target_semaphore(%run_scoped3A_90 : memref<!tpu.dma_semaphore, #tpu.memory_space<semaphore_mem>>)
      %dma_wait3A_103 = arith.constant 0 : i32
      %dma_wait3A_104 = arith.constant 0 : i32
      %dma_wait3A_105 = tpu.memref_slice %arg7[%run_scoped3A, %dma_wait3A_103, %dma_wait3A_104] : memref<2x2x768xi32, #tpu.memory_space<vmem>> -> memref<1x2x768xi32, #tpu.memory_space<vmem>>
      %dma_wait3A_106 = tpu.memref_squeeze %dma_wait3A_105 : memref<1x2x768xi32, #tpu.memory_space<vmem>> -> memref<2x768xi32, #tpu.memory_space<vmem>>
      %dma_wait3A_107 = arith.constant 0 : i32
      %dma_wait3A_108 = tpu.memref_slice %arg2[%dma_wait3A_107, %add3A_8] : memref<2x3200000xi32, #tpu.memory_space<hbm>> -> memref<2x768xi32, #tpu.memory_space<hbm>>
      %dma_wait3A_109 = arith.constant 0 : i32
      %dma_wait3A_110 = arith.constant 0 : i32
      %dma_wait3A_111 = tpu.memref_slice %arg7[%run_scoped3A, %dma_wait3A_109, %dma_wait3A_110] : memref<2x2x768xi32, #tpu.memory_space<vmem>> -> memref<1x2x768xi32, #tpu.memory_space<vmem>>
      %dma_wait3A_112 = tpu.memref_squeeze %dma_wait3A_111 : memref<1x2x768xi32, #tpu.memory_space<vmem>> -> memref<2x768xi32, #tpu.memory_space<vmem>>
      %dma_wait3A_113 = arith.constant 0 : i32
      %dma_wait3A_114 = tpu.memref_slice %arg2[%dma_wait3A_113, %add3A_8] : memref<2x3200000xi32, #tpu.memory_space<hbm>> -> memref<2x768xi32, #tpu.memory_space<hbm>>
      tpu.wait_dma2 semaphore(%run_scoped3A_90 : memref<!tpu.dma_semaphore, #tpu.memory_space<semaphore_mem>>) src(%dma_wait3A_114 : memref<2x768xi32, #tpu.memory_space<hbm>>) dst(%dma_wait3A_112 : memref<2x768xi32, #tpu.memory_space<vmem>>)
      tpu.yield
    }) : () -> ()
    %dma_start3A = arith.constant 0 : i32
    %dma_start3A_9 = arith.constant 0 : i32
    %dma_start3A_10 = arith.constant 0 : i32
    %dma_start3A_11 = arith.constant 0 : i32
    %dma_start3A_12 = arith.constant 0 : i32
    %dma_start3A_13 = tpu.memref_slice %arg8[%dma_start3A_10, %dma_start3A_11, %dma_start3A_12] : memref<2x768x16xf32, #tpu.memory_space<vmem>> -> memref<1x768x16xf32, #tpu.memory_space<vmem>>
    %dma_start3A_14 = tpu.memref_squeeze %dma_start3A_13 : memref<1x768x16xf32, #tpu.memory_space<vmem>> -> memref<768x16xf32, #tpu.memory_space<vmem>>
    %dma_start3A_15 = arith.constant 0 : i32
    %dma_start3A_16 = tpu.memref_slice %arg7[%dma_start3A, %dma_start3A_9, %dma_start3A_15] : memref<2x2x768xi32, #tpu.memory_space<vmem>> -> memref<1x1x768xi32, #tpu.memory_space<vmem>>
    %dma_start3A_17 = tpu.memref_squeeze %dma_start3A_16 : memref<1x1x768xi32, #tpu.memory_space<vmem>> -> memref<768xi32, #tpu.memory_space<vmem>>
    %dma_start3A_18 = arith.constant 0 : i32
    %dma_start3A_19 = arith.constant 0 : i32
    %dma_start3A_20 = tpu.memref_slice %arg3[%dma_start3A_18, %dma_start3A_19] : memref<100352x16xf32, #tpu.memory_space<hbm>> -> memref<100352x16xf32, #tpu.memory_space<hbm>>
    tpu.enqueue_indirect_dma source(%dma_start3A_20 : memref<100352x16xf32, #tpu.memory_space<hbm>>) target(%dma_start3A_14 : memref<768x16xf32, #tpu.memory_space<vmem>>) offsets(%dma_start3A_17 : memref<768xi32, #tpu.memory_space<vmem>>) semaphore(%arg9 : memref<!tpu.dma_semaphore, #tpu.memory_space<semaphore_mem>>)
    %add3A_21 = arith.constant 768 : i32
    %add3A_22 = arith.addi %mul3A_6, %add3A_21 : i32
    %run_scoped3A_23 = arith.constant 1 : i32
    "tpu.region"() ({
      %run_scoped3A_90 = tpu.sem_alloc : memref<!tpu.dma_semaphore, #tpu.memory_space<semaphore_mem>>
      %dma_start3A_91 = arith.constant 0 : i32
      %dma_start3A_92 = arith.constant 0 : i32
      %dma_start3A_93 = tpu.memref_slice %arg7[%run_scoped3A_23, %dma_start3A_91, %dma_start3A_92] : memref<2x2x768xi32, #tpu.memory_space<vmem>> -> memref<1x2x768xi32, #tpu.memory_space<vmem>>
      %dma_start3A_94 = tpu.memref_squeeze %dma_start3A_93 : memref<1x2x768xi32, #tpu.memory_space<vmem>> -> memref<2x768xi32, #tpu.memory_space<vmem>>
      %dma_start3A_95 = arith.constant 0 : i32
      %dma_start3A_96 = tpu.memref_slice %arg2[%dma_start3A_95, %add3A_22] : memref<2x3200000xi32, #tpu.memory_space<hbm>> -> memref<2x768xi32, #tpu.memory_space<hbm>>
      %dma_start3A_97 = arith.constant 0 : i32
      %dma_start3A_98 = arith.constant 0 : i32
      %dma_start3A_99 = tpu.memref_slice %arg7[%run_scoped3A_23, %dma_start3A_97, %dma_start3A_98] : memref<2x2x768xi32, #tpu.memory_space<vmem>> -> memref<1x2x768xi32, #tpu.memory_space<vmem>>
      %dma_start3A_100 = tpu.memref_squeeze %dma_start3A_99 : memref<1x2x768xi32, #tpu.memory_space<vmem>> -> memref<2x768xi32, #tpu.memory_space<vmem>>
      %dma_start3A_101 = arith.constant 0 : i32
      %dma_start3A_102 = tpu.memref_slice %arg2[%dma_start3A_101, %add3A_22] : memref<2x3200000xi32, #tpu.memory_space<hbm>> -> memref<2x768xi32, #tpu.memory_space<hbm>>
      tpu.enqueue_dma source(%dma_start3A_102 : memref<2x768xi32, #tpu.memory_space<hbm>>) target(%dma_start3A_100 : memref<2x768xi32, #tpu.memory_space<vmem>>) target_semaphore(%run_scoped3A_90 : memref<!tpu.dma_semaphore, #tpu.memory_space<semaphore_mem>>)
      %dma_wait3A_103 = arith.constant 0 : i32
      %dma_wait3A_104 = arith.constant 0 : i32
      %dma_wait3A_105 = tpu.memref_slice %arg7[%run_scoped3A_23, %dma_wait3A_103, %dma_wait3A_104] : memref<2x2x768xi32, #tpu.memory_space<vmem>> -> memref<1x2x768xi32, #tpu.memory_space<vmem>>
      %dma_wait3A_106 = tpu.memref_squeeze %dma_wait3A_105 : memref<1x2x768xi32, #tpu.memory_space<vmem>> -> memref<2x768xi32, #tpu.memory_space<vmem>>
      %dma_wait3A_107 = arith.constant 0 : i32
      %dma_wait3A_108 = tpu.memref_slice %arg2[%dma_wait3A_107, %add3A_22] : memref<2x3200000xi32, #tpu.memory_space<hbm>> -> memref<2x768xi32, #tpu.memory_space<hbm>>
      %dma_wait3A_109 = arith.constant 0 : i32
      %dma_wait3A_110 = arith.constant 0 : i32
      %dma_wait3A_111 = tpu.memref_slice %arg7[%run_scoped3A_23, %dma_wait3A_109, %dma_wait3A_110] : memref<2x2x768xi32, #tpu.memory_space<vmem>> -> memref<1x2x768xi32, #tpu.memory_space<vmem>>
      %dma_wait3A_112 = tpu.memref_squeeze %dma_wait3A_111 : memref<1x2x768xi32, #tpu.memory_space<vmem>> -> memref<2x768xi32, #tpu.memory_space<vmem>>
      %dma_wait3A_113 = arith.constant 0 : i32
      %dma_wait3A_114 = tpu.memref_slice %arg2[%dma_wait3A_113, %add3A_22] : memref<2x3200000xi32, #tpu.memory_space<hbm>> -> memref<2x768xi32, #tpu.memory_space<hbm>>
      tpu.wait_dma2 semaphore(%run_scoped3A_90 : memref<!tpu.dma_semaphore, #tpu.memory_space<semaphore_mem>>) src(%dma_wait3A_114 : memref<2x768xi32, #tpu.memory_space<hbm>>) dst(%dma_wait3A_112 : memref<2x768xi32, #tpu.memory_space<vmem>>)
      tpu.yield
    }) : () -> ()
    %dma_start3A_24 = arith.constant 1 : i32
    %dma_start3A_25 = arith.constant 0 : i32
    %dma_start3A_26 = arith.constant 1 : i32
    %dma_start3A_27 = arith.constant 0 : i32
    %dma_start3A_28 = arith.constant 0 : i32
    %dma_start3A_29 = tpu.memref_slice %arg8[%dma_start3A_26, %dma_start3A_27, %dma_start3A_28] : memref<2x768x16xf32, #tpu.memory_space<vmem>> -> memref<1x768x16xf32, #tpu.memory_space<vmem>>
    %dma_start3A_30 = tpu.memref_squeeze %dma_start3A_29 : memref<1x768x16xf32, #tpu.memory_space<vmem>> -> memref<768x16xf32, #tpu.memory_space<vmem>>
    %dma_start3A_31 = arith.constant 0 : i32
    %dma_start3A_32 = tpu.memref_slice %arg7[%dma_start3A_24, %dma_start3A_25, %dma_start3A_31] : memref<2x2x768xi32, #tpu.memory_space<vmem>> -> memref<1x1x768xi32, #tpu.memory_space<vmem>>
    %dma_start3A_33 = tpu.memref_squeeze %dma_start3A_32 : memref<1x1x768xi32, #tpu.memory_space<vmem>> -> memref<768xi32, #tpu.memory_space<vmem>>
    %dma_start3A_34 = arith.constant 0 : i32
    %dma_start3A_35 = arith.constant 0 : i32
    %dma_start3A_36 = tpu.memref_slice %arg3[%dma_start3A_34, %dma_start3A_35] : memref<100352x16xf32, #tpu.memory_space<hbm>> -> memref<100352x16xf32, #tpu.memory_space<hbm>>
    tpu.enqueue_indirect_dma source(%dma_start3A_36 : memref<100352x16xf32, #tpu.memory_space<hbm>>) target(%dma_start3A_30 : memref<768x16xf32, #tpu.memory_space<vmem>>) offsets(%dma_start3A_33 : memref<768xi32, #tpu.memory_space<vmem>>) semaphore(%arg9 : memref<!tpu.dma_semaphore, #tpu.memory_space<semaphore_mem>>)
    %scan3A = arith.constant 0 : i32
    %scan3A_37 = arith.constant 0 : i32
    %scan3A_38 = arith.constant 65 : i32
    %scan3A_39 = arith.addi %scan3A_37, %scan3A_38 : i32
    %scan3A_40 = arith.constant 1 : i32
    scf.for %scan3A_90 = %scan3A_37 to %scan3A_39 step %scan3A_40  : i32 {
      %dma_wait3A_91 = arith.constant 0 : i32
      %dma_wait3A_92 = arith.constant 0 : i32
      %dma_wait3A_93 = arith.constant 0 : i32
      %dma_wait3A_94 = arith.constant 0 : i32
      %dma_wait3A_95 = arith.constant 0 : i32
      %dma_wait3A_96 = tpu.memref_slice %arg8[%dma_wait3A_93, %dma_wait3A_94, %dma_wait3A_95] : memref<2x768x16xf32, #tpu.memory_space<vmem>> -> memref<1x768x16xf32, #tpu.memory_space<vmem>>
      %dma_wait3A_97 = tpu.memref_squeeze %dma_wait3A_96 : memref<1x768x16xf32, #tpu.memory_space<vmem>> -> memref<768x16xf32, #tpu.memory_space<vmem>>
      %dma_wait3A_98 = arith.constant 0 : i32
      %dma_wait3A_99 = tpu.memref_slice %arg7[%dma_wait3A_91, %dma_wait3A_92, %dma_wait3A_98] : memref<2x2x768xi32, #tpu.memory_space<vmem>> -> memref<1x1x768xi32, #tpu.memory_space<vmem>>
      %dma_wait3A_100 = tpu.memref_squeeze %dma_wait3A_99 : memref<1x1x768xi32, #tpu.memory_space<vmem>> -> memref<768xi32, #tpu.memory_space<vmem>>
      %dma_wait3A_101 = arith.constant 0 : i32
      %dma_wait3A_102 = arith.constant 0 : i32
      %dma_wait3A_103 = tpu.memref_slice %arg3[%dma_wait3A_101, %dma_wait3A_102] : memref<100352x16xf32, #tpu.memory_space<hbm>> -> memref<100352x16xf32, #tpu.memory_space<hbm>>
      tpu.wait_indirect_dma semaphore(%arg9 : memref<!tpu.dma_semaphore, #tpu.memory_space<semaphore_mem>>) src(%dma_wait3A_103 : memref<100352x16xf32, #tpu.memory_space<hbm>>) dst(%dma_wait3A_97 : memref<768x16xf32, #tpu.memory_space<vmem>>)
      %dma_start3A_104 = arith.constant 0 : i32
      %dma_start3A_105 = arith.constant 0 : i32
      %dma_start3A_106 = arith.constant 1 : i32
      %dma_start3A_107 = arith.constant 0 : i32
      %dma_start3A_108 = arith.constant 0 : i32
      %dma_start3A_109 = tpu.memref_slice %arg8[%dma_start3A_104, %dma_start3A_107, %dma_start3A_108] : memref<2x768x16xf32, #tpu.memory_space<vmem>> -> memref<1x768x16xf32, #tpu.memory_space<vmem>>
      %dma_start3A_110 = tpu.memref_squeeze %dma_start3A_109 : memref<1x768x16xf32, #tpu.memory_space<vmem>> -> memref<768x16xf32, #tpu.memory_space<vmem>>
      %dma_start3A_111 = arith.constant 0 : i32
      %dma_start3A_112 = tpu.memref_slice %arg7[%dma_start3A_105, %dma_start3A_106, %dma_start3A_111] : memref<2x2x768xi32, #tpu.memory_space<vmem>> -> memref<1x1x768xi32, #tpu.memory_space<vmem>>
      %dma_start3A_113 = tpu.memref_squeeze %dma_start3A_112 : memref<1x1x768xi32, #tpu.memory_space<vmem>> -> memref<768xi32, #tpu.memory_space<vmem>>
      %dma_start3A_114 = arith.constant 0 : i32
      %dma_start3A_115 = arith.constant 0 : i32
      %dma_start3A_116 = tpu.memref_slice %arg6[%dma_start3A_114, %dma_start3A_115] : memref<100352x16xf32, #tpu.memory_space<vmem_shared>> -> memref<100352x16xf32, #tpu.memory_space<vmem_shared>>
      tpu.enqueue_indirect_dma source(%dma_start3A_110 : memref<768x16xf32, #tpu.memory_space<vmem>>) target(%dma_start3A_116 : memref<100352x16xf32, #tpu.memory_space<vmem_shared>>) offsets(%dma_start3A_113 : memref<768xi32, #tpu.memory_space<vmem>>) semaphore(%arg10 : memref<!tpu.dma_semaphore, #tpu.memory_space<semaphore_mem>>) {add = true}
      %dma_wait3A_117 = arith.constant 1 : i32
      %dma_wait3A_118 = arith.constant 0 : i32
      %dma_wait3A_119 = arith.constant 1 : i32
      %dma_wait3A_120 = arith.constant 0 : i32
      %dma_wait3A_121 = arith.constant 0 : i32
      %dma_wait3A_122 = tpu.memref_slice %arg8[%dma_wait3A_119, %dma_wait3A_120, %dma_wait3A_121] : memref<2x768x16xf32, #tpu.memory_space<vmem>> -> memref<1x768x16xf32, #tpu.memory_space<vmem>>
      %dma_wait3A_123 = tpu.memref_squeeze %dma_wait3A_122 : memref<1x768x16xf32, #tpu.memory_space<vmem>> -> memref<768x16xf32, #tpu.memory_space<vmem>>
      %dma_wait3A_124 = arith.constant 0 : i32
      %dma_wait3A_125 = tpu.memref_slice %arg7[%dma_wait3A_117, %dma_wait3A_118, %dma_wait3A_124] : memref<2x2x768xi32, #tpu.memory_space<vmem>> -> memref<1x1x768xi32, #tpu.memory_space<vmem>>
      %dma_wait3A_126 = tpu.memref_squeeze %dma_wait3A_125 : memref<1x1x768xi32, #tpu.memory_space<vmem>> -> memref<768xi32, #tpu.memory_space<vmem>>
      %dma_wait3A_127 = arith.constant 0 : i32
      %dma_wait3A_128 = arith.constant 0 : i32
      %dma_wait3A_129 = tpu.memref_slice %arg3[%dma_wait3A_127, %dma_wait3A_128] : memref<100352x16xf32, #tpu.memory_space<hbm>> -> memref<100352x16xf32, #tpu.memory_space<hbm>>
      tpu.wait_indirect_dma semaphore(%arg9 : memref<!tpu.dma_semaphore, #tpu.memory_space<semaphore_mem>>) src(%dma_wait3A_129 : memref<100352x16xf32, #tpu.memory_space<hbm>>) dst(%dma_wait3A_123 : memref<768x16xf32, #tpu.memory_space<vmem>>)
      %dma_start3A_130 = arith.constant 1 : i32
      %dma_start3A_131 = arith.constant 1 : i32
      %dma_start3A_132 = arith.constant 1 : i32
      %dma_start3A_133 = arith.constant 0 : i32
      %dma_start3A_134 = arith.constant 0 : i32
      %dma_start3A_135 = tpu.memref_slice %arg8[%dma_start3A_130, %dma_start3A_133, %dma_start3A_134] : memref<2x768x16xf32, #tpu.memory_space<vmem>> -> memref<1x768x16xf32, #tpu.memory_space<vmem>>
      %dma_start3A_136 = tpu.memref_squeeze %dma_start3A_135 : memref<1x768x16xf32, #tpu.memory_space<vmem>> -> memref<768x16xf32, #tpu.memory_space<vmem>>
      %dma_start3A_137 = arith.constant 0 : i32
      %dma_start3A_138 = tpu.memref_slice %arg7[%dma_start3A_131, %dma_start3A_132, %dma_start3A_137] : memref<2x2x768xi32, #tpu.memory_space<vmem>> -> memref<1x1x768xi32, #tpu.memory_space<vmem>>
      %dma_start3A_139 = tpu.memref_squeeze %dma_start3A_138 : memref<1x1x768xi32, #tpu.memory_space<vmem>> -> memref<768xi32, #tpu.memory_space<vmem>>
      %dma_start3A_140 = arith.constant 0 : i32
      %dma_start3A_141 = arith.constant 0 : i32
      %dma_start3A_142 = tpu.memref_slice %arg6[%dma_start3A_140, %dma_start3A_141] : memref<100352x16xf32, #tpu.memory_space<vmem_shared>> -> memref<100352x16xf32, #tpu.memory_space<vmem_shared>>
      tpu.enqueue_indirect_dma source(%dma_start3A_136 : memref<768x16xf32, #tpu.memory_space<vmem>>) target(%dma_start3A_142 : memref<100352x16xf32, #tpu.memory_space<vmem_shared>>) offsets(%dma_start3A_139 : memref<768xi32, #tpu.memory_space<vmem>>) semaphore(%arg10 : memref<!tpu.dma_semaphore, #tpu.memory_space<semaphore_mem>>) {add = true}
      %add3A_143 = arith.constant 1 : i32
      %add3A_144 = arith.addi %scan3A_90, %add3A_143 : i32
      %lt3A = arith.constant 65 : i32
      %lt3A_145 = arith.cmpi slt, %add3A_144, %lt3A : i32
      %convert_element_type3A = arith.extui %lt3A_145 : i1 to i32
      %cond3A = arith.constant 0 : i32
      %cond3A_146 = arith.cmpi ne, %convert_element_type3A, %cond3A : i32
      scf.if %cond3A_146 {
        %dma_wait3A_147 = arith.constant 0 : i32
        %dma_wait3A_148 = arith.constant 0 : i32
        %dma_wait3A_149 = arith.constant 1 : i32
        %dma_wait3A_150 = arith.constant 0 : i32
        %dma_wait3A_151 = arith.constant 0 : i32
        %dma_wait3A_152 = tpu.memref_slice %arg8[%dma_wait3A_147, %dma_wait3A_150, %dma_wait3A_151] : memref<2x768x16xf32, #tpu.memory_space<vmem>> -> memref<1x768x16xf32, #tpu.memory_space<vmem>>
        %dma_wait3A_153 = tpu.memref_squeeze %dma_wait3A_152 : memref<1x768x16xf32, #tpu.memory_space<vmem>> -> memref<768x16xf32, #tpu.memory_space<vmem>>
        %dma_wait3A_154 = arith.constant 0 : i32
        %dma_wait3A_155 = tpu.memref_slice %arg7[%dma_wait3A_148, %dma_wait3A_149, %dma_wait3A_154] : memref<2x2x768xi32, #tpu.memory_space<vmem>> -> memref<1x1x768xi32, #tpu.memory_space<vmem>>
        %dma_wait3A_156 = tpu.memref_squeeze %dma_wait3A_155 : memref<1x1x768xi32, #tpu.memory_space<vmem>> -> memref<768xi32, #tpu.memory_space<vmem>>
        %dma_wait3A_157 = arith.constant 0 : i32
        %dma_wait3A_158 = arith.constant 0 : i32
        %dma_wait3A_159 = tpu.memref_slice %arg6[%dma_wait3A_157, %dma_wait3A_158] : memref<100352x16xf32, #tpu.memory_space<vmem_shared>> -> memref<100352x16xf32, #tpu.memory_space<vmem_shared>>
        tpu.wait_indirect_dma semaphore(%arg10 : memref<!tpu.dma_semaphore, #tpu.memory_space<semaphore_mem>>) src(%dma_wait3A_153 : memref<768x16xf32, #tpu.memory_space<vmem>>) dst(%dma_wait3A_159 : memref<100352x16xf32, #tpu.memory_space<vmem_shared>>)
        %add3A_160 = arith.constant 1 : i32
        %add3A_161 = arith.addi %scan3A_90, %add3A_160 : i32
        %mul3A_162 = arith.constant 2 : i32
        %mul3A_163 = arith.muli %add3A_161, %mul3A_162 : i32
        %add3A_164 = arith.constant 0 : i32
        %add3A_165 = arith.addi %mul3A_163, %add3A_164 : i32
        %mul3A_166 = arith.constant 768 : i32
        %mul3A_167 = arith.muli %add3A_165, %mul3A_166 : i32
        %add3A_168 = arith.addi %mul3A_6, %mul3A_167 : i32
        %dma_start3A_169 = arith.constant 0 : i32
        %dma_start3A_170 = arith.constant 0 : i32
        %dma_start3A_171 = arith.constant 0 : i32
        %dma_start3A_172 = tpu.memref_slice %arg7[%dma_start3A_169, %dma_start3A_170, %dma_start3A_171] : memref<2x2x768xi32, #tpu.memory_space<vmem>> -> memref<1x2x768xi32, #tpu.memory_space<vmem>>
        %dma_start3A_173 = tpu.memref_squeeze %dma_start3A_172 : memref<1x2x768xi32, #tpu.memory_space<vmem>> -> memref<2x768xi32, #tpu.memory_space<vmem>>
        %dma_start3A_174 = arith.constant 0 : i32
        %dma_start3A_175 = tpu.memref_slice %arg2[%dma_start3A_174, %add3A_168] : memref<2x3200000xi32, #tpu.memory_space<hbm>> -> memref<2x768xi32, #tpu.memory_space<hbm>>
        %dma_start3A_176 = arith.constant 0 : i32
        %dma_start3A_177 = arith.constant 0 : i32
        %dma_start3A_178 = tpu.memref_slice %arg7[%dma_start3A_169, %dma_start3A_176, %dma_start3A_177] : memref<2x2x768xi32, #tpu.memory_space<vmem>> -> memref<1x2x768xi32, #tpu.memory_space<vmem>>
        %dma_start3A_179 = tpu.memref_squeeze %dma_start3A_178 : memref<1x2x768xi32, #tpu.memory_space<vmem>> -> memref<2x768xi32, #tpu.memory_space<vmem>>
        %dma_start3A_180 = arith.constant 0 : i32
        %dma_start3A_181 = tpu.memref_slice %arg2[%dma_start3A_180, %add3A_168] : memref<2x3200000xi32, #tpu.memory_space<hbm>> -> memref<2x768xi32, #tpu.memory_space<hbm>>
        tpu.enqueue_dma source(%dma_start3A_181 : memref<2x768xi32, #tpu.memory_space<hbm>>) target(%dma_start3A_179 : memref<2x768xi32, #tpu.memory_space<vmem>>) target_semaphore(%arg11 : memref<!tpu.dma_semaphore, #tpu.memory_space<semaphore_mem>>)
        %dma_wait3A_182 = arith.constant 1 : i32
        %dma_wait3A_183 = arith.constant 1 : i32
        %dma_wait3A_184 = arith.constant 1 : i32
        %dma_wait3A_185 = arith.constant 0 : i32
        %dma_wait3A_186 = arith.constant 0 : i32
        %dma_wait3A_187 = tpu.memref_slice %arg8[%dma_wait3A_182, %dma_wait3A_185, %dma_wait3A_186] : memref<2x768x16xf32, #tpu.memory_space<vmem>> -> memref<1x768x16xf32, #tpu.memory_space<vmem>>
        %dma_wait3A_188 = tpu.memref_squeeze %dma_wait3A_187 : memref<1x768x16xf32, #tpu.memory_space<vmem>> -> memref<768x16xf32, #tpu.memory_space<vmem>>
        %dma_wait3A_189 = arith.constant 0 : i32
        %dma_wait3A_190 = tpu.memref_slice %arg7[%dma_wait3A_183, %dma_wait3A_184, %dma_wait3A_189] : memref<2x2x768xi32, #tpu.memory_space<vmem>> -> memref<1x1x768xi32, #tpu.memory_space<vmem>>
        %dma_wait3A_191 = tpu.memref_squeeze %dma_wait3A_190 : memref<1x1x768xi32, #tpu.memory_space<vmem>> -> memref<768xi32, #tpu.memory_space<vmem>>
        %dma_wait3A_192 = arith.constant 0 : i32
        %dma_wait3A_193 = arith.constant 0 : i32
        %dma_wait3A_194 = tpu.memref_slice %arg6[%dma_wait3A_192, %dma_wait3A_193] : memref<100352x16xf32, #tpu.memory_space<vmem_shared>> -> memref<100352x16xf32, #tpu.memory_space<vmem_shared>>
        tpu.wait_indirect_dma semaphore(%arg10 : memref<!tpu.dma_semaphore, #tpu.memory_space<semaphore_mem>>) src(%dma_wait3A_188 : memref<768x16xf32, #tpu.memory_space<vmem>>) dst(%dma_wait3A_194 : memref<100352x16xf32, #tpu.memory_space<vmem_shared>>)
        %add3A_195 = arith.constant 1 : i32
        %add3A_196 = arith.addi %scan3A_90, %add3A_195 : i32
        %mul3A_197 = arith.constant 2 : i32
        %mul3A_198 = arith.muli %add3A_196, %mul3A_197 : i32
        %add3A_199 = arith.constant 1 : i32
        %add3A_200 = arith.addi %mul3A_198, %add3A_199 : i32
        %mul3A_201 = arith.constant 768 : i32
        %mul3A_202 = arith.muli %add3A_200, %mul3A_201 : i32
        %add3A_203 = arith.addi %mul3A_6, %mul3A_202 : i32
        %dma_start3A_204 = arith.constant 1 : i32
        %dma_start3A_205 = arith.constant 0 : i32
        %dma_start3A_206 = arith.constant 0 : i32
        %dma_start3A_207 = tpu.memref_slice %arg7[%dma_start3A_204, %dma_start3A_205, %dma_start3A_206] : memref<2x2x768xi32, #tpu.memory_space<vmem>> -> memref<1x2x768xi32, #tpu.memory_space<vmem>>
        %dma_start3A_208 = tpu.memref_squeeze %dma_start3A_207 : memref<1x2x768xi32, #tpu.memory_space<vmem>> -> memref<2x768xi32, #tpu.memory_space<vmem>>
        %dma_start3A_209 = arith.constant 0 : i32
        %dma_start3A_210 = tpu.memref_slice %arg2[%dma_start3A_209, %add3A_203] : memref<2x3200000xi32, #tpu.memory_space<hbm>> -> memref<2x768xi32, #tpu.memory_space<hbm>>
        %dma_start3A_211 = arith.constant 0 : i32
        %dma_start3A_212 = arith.constant 0 : i32
        %dma_start3A_213 = tpu.memref_slice %arg7[%dma_start3A_204, %dma_start3A_211, %dma_start3A_212] : memref<2x2x768xi32, #tpu.memory_space<vmem>> -> memref<1x2x768xi32, #tpu.memory_space<vmem>>
        %dma_start3A_214 = tpu.memref_squeeze %dma_start3A_213 : memref<1x2x768xi32, #tpu.memory_space<vmem>> -> memref<2x768xi32, #tpu.memory_space<vmem>>
        %dma_start3A_215 = arith.constant 0 : i32
        %dma_start3A_216 = tpu.memref_slice %arg2[%dma_start3A_215, %add3A_203] : memref<2x3200000xi32, #tpu.memory_space<hbm>> -> memref<2x768xi32, #tpu.memory_space<hbm>>
        tpu.enqueue_dma source(%dma_start3A_216 : memref<2x768xi32, #tpu.memory_space<hbm>>) target(%dma_start3A_214 : memref<2x768xi32, #tpu.memory_space<vmem>>) target_semaphore(%arg11 : memref<!tpu.dma_semaphore, #tpu.memory_space<semaphore_mem>>)
        %add3A_217 = arith.constant 1 : i32
        %add3A_218 = arith.addi %scan3A_90, %add3A_217 : i32
        %mul3A_219 = arith.constant 2 : i32
        %mul3A_220 = arith.muli %add3A_218, %mul3A_219 : i32
        %add3A_221 = arith.constant 0 : i32
        %add3A_222 = arith.addi %mul3A_220, %add3A_221 : i32
        %mul3A_223 = arith.constant 768 : i32
        %mul3A_224 = arith.muli %add3A_222, %mul3A_223 : i32
        %add3A_225 = arith.addi %mul3A_6, %mul3A_224 : i32
        %dma_wait3A_226 = arith.constant 0 : i32
        %dma_wait3A_227 = arith.constant 0 : i32
        %dma_wait3A_228 = arith.constant 0 : i32
        %dma_wait3A_229 = tpu.memref_slice %arg7[%dma_wait3A_226, %dma_wait3A_227, %dma_wait3A_228] : memref<2x2x768xi32, #tpu.memory_space<vmem>> -> memref<1x2x768xi32, #tpu.memory_space<vmem>>
        %dma_wait3A_230 = tpu.memref_squeeze %dma_wait3A_229 : memref<1x2x768xi32, #tpu.memory_space<vmem>> -> memref<2x768xi32, #tpu.memory_space<vmem>>
        %dma_wait3A_231 = arith.constant 0 : i32
        %dma_wait3A_232 = tpu.memref_slice %arg2[%dma_wait3A_231, %add3A_225] : memref<2x3200000xi32, #tpu.memory_space<hbm>> -> memref<2x768xi32, #tpu.memory_space<hbm>>
        %dma_wait3A_233 = arith.constant 0 : i32
        %dma_wait3A_234 = arith.constant 0 : i32
        %dma_wait3A_235 = tpu.memref_slice %arg7[%dma_wait3A_226, %dma_wait3A_233, %dma_wait3A_234] : memref<2x2x768xi32, #tpu.memory_space<vmem>> -> memref<1x2x768xi32, #tpu.memory_space<vmem>>
        %dma_wait3A_236 = tpu.memref_squeeze %dma_wait3A_235 : memref<1x2x768xi32, #tpu.memory_space<vmem>> -> memref<2x768xi32, #tpu.memory_space<vmem>>
        %dma_wait3A_237 = arith.constant 0 : i32
        %dma_wait3A_238 = tpu.memref_slice %arg2[%dma_wait3A_237, %add3A_225] : memref<2x3200000xi32, #tpu.memory_space<hbm>> -> memref<2x768xi32, #tpu.memory_space<hbm>>
        tpu.wait_dma2 semaphore(%arg11 : memref<!tpu.dma_semaphore, #tpu.memory_space<semaphore_mem>>) src(%dma_wait3A_238 : memref<2x768xi32, #tpu.memory_space<hbm>>) dst(%dma_wait3A_236 : memref<2x768xi32, #tpu.memory_space<vmem>>)
        %dma_start3A_239 = arith.constant 0 : i32
        %dma_start3A_240 = arith.constant 0 : i32
        %dma_start3A_241 = arith.constant 0 : i32
        %dma_start3A_242 = arith.constant 0 : i32
        %dma_start3A_243 = arith.constant 0 : i32
        %dma_start3A_244 = tpu.memref_slice %arg8[%dma_start3A_241, %dma_start3A_242, %dma_start3A_243] : memref<2x768x16xf32, #tpu.memory_space<vmem>> -> memref<1x768x16xf32, #tpu.memory_space<vmem>>
        %dma_start3A_245 = tpu.memref_squeeze %dma_start3A_244 : memref<1x768x16xf32, #tpu.memory_space<vmem>> -> memref<768x16xf32, #tpu.memory_space<vmem>>
        %dma_start3A_246 = arith.constant 0 : i32
        %dma_start3A_247 = tpu.memref_slice %arg7[%dma_start3A_239, %dma_start3A_240, %dma_start3A_246] : memref<2x2x768xi32, #tpu.memory_space<vmem>> -> memref<1x1x768xi32, #tpu.memory_space<vmem>>
        %dma_start3A_248 = tpu.memref_squeeze %dma_start3A_247 : memref<1x1x768xi32, #tpu.memory_space<vmem>> -> memref<768xi32, #tpu.memory_space<vmem>>
        %dma_start3A_249 = arith.constant 0 : i32
        %dma_start3A_250 = arith.constant 0 : i32
        %dma_start3A_251 = tpu.memref_slice %arg3[%dma_start3A_249, %dma_start3A_250] : memref<100352x16xf32, #tpu.memory_space<hbm>> -> memref<100352x16xf32, #tpu.memory_space<hbm>>
        tpu.enqueue_indirect_dma source(%dma_start3A_251 : memref<100352x16xf32, #tpu.memory_space<hbm>>) target(%dma_start3A_245 : memref<768x16xf32, #tpu.memory_space<vmem>>) offsets(%dma_start3A_248 : memref<768xi32, #tpu.memory_space<vmem>>) semaphore(%arg9 : memref<!tpu.dma_semaphore, #tpu.memory_space<semaphore_mem>>)
        %add3A_252 = arith.constant 1 : i32
        %add3A_253 = arith.addi %scan3A_90, %add3A_252 : i32
        %mul3A_254 = arith.constant 2 : i32
        %mul3A_255 = arith.muli %add3A_253, %mul3A_254 : i32
        %add3A_256 = arith.constant 1 : i32
        %add3A_257 = arith.addi %mul3A_255, %add3A_256 : i32
        %mul3A_258 = arith.constant 768 : i32
        %mul3A_259 = arith.muli %add3A_257, %mul3A_258 : i32
        %add3A_260 = arith.addi %mul3A_6, %mul3A_259 : i32
        %dma_wait3A_261 = arith.constant 1 : i32
        %dma_wait3A_262 = arith.constant 0 : i32
        %dma_wait3A_263 = arith.constant 0 : i32
        %dma_wait3A_264 = tpu.memref_slice %arg7[%dma_wait3A_261, %dma_wait3A_262, %dma_wait3A_263] : memref<2x2x768xi32, #tpu.memory_space<vmem>> -> memref<1x2x768xi32, #tpu.memory_space<vmem>>
        %dma_wait3A_265 = tpu.memref_squeeze %dma_wait3A_264 : memref<1x2x768xi32, #tpu.memory_space<vmem>> -> memref<2x768xi32, #tpu.memory_space<vmem>>
        %dma_wait3A_266 = arith.constant 0 : i32
        %dma_wait3A_267 = tpu.memref_slice %arg2[%dma_wait3A_266, %add3A_260] : memref<2x3200000xi32, #tpu.memory_space<hbm>> -> memref<2x768xi32, #tpu.memory_space<hbm>>
        %dma_wait3A_268 = arith.constant 0 : i32
        %dma_wait3A_269 = arith.constant 0 : i32
        %dma_wait3A_270 = tpu.memref_slice %arg7[%dma_wait3A_261, %dma_wait3A_268, %dma_wait3A_269] : memref<2x2x768xi32, #tpu.memory_space<vmem>> -> memref<1x2x768xi32, #tpu.memory_space<vmem>>
        %dma_wait3A_271 = tpu.memref_squeeze %dma_wait3A_270 : memref<1x2x768xi32, #tpu.memory_space<vmem>> -> memref<2x768xi32, #tpu.memory_space<vmem>>
        %dma_wait3A_272 = arith.constant 0 : i32
        %dma_wait3A_273 = tpu.memref_slice %arg2[%dma_wait3A_272, %add3A_260] : memref<2x3200000xi32, #tpu.memory_space<hbm>> -> memref<2x768xi32, #tpu.memory_space<hbm>>
        tpu.wait_dma2 semaphore(%arg11 : memref<!tpu.dma_semaphore, #tpu.memory_space<semaphore_mem>>) src(%dma_wait3A_273 : memref<2x768xi32, #tpu.memory_space<hbm>>) dst(%dma_wait3A_271 : memref<2x768xi32, #tpu.memory_space<vmem>>)
        %dma_start3A_274 = arith.constant 1 : i32
        %dma_start3A_275 = arith.constant 0 : i32
        %dma_start3A_276 = arith.constant 1 : i32
        %dma_start3A_277 = arith.constant 0 : i32
        %dma_start3A_278 = arith.constant 0 : i32
        %dma_start3A_279 = tpu.memref_slice %arg8[%dma_start3A_276, %dma_start3A_277, %dma_start3A_278] : memref<2x768x16xf32, #tpu.memory_space<vmem>> -> memref<1x768x16xf32, #tpu.memory_space<vmem>>
        %dma_start3A_280 = tpu.memref_squeeze %dma_start3A_279 : memref<1x768x16xf32, #tpu.memory_space<vmem>> -> memref<768x16xf32, #tpu.memory_space<vmem>>
        %dma_start3A_281 = arith.constant 0 : i32
        %dma_start3A_282 = tpu.memref_slice %arg7[%dma_start3A_274, %dma_start3A_275, %dma_start3A_281] : memref<2x2x768xi32, #tpu.memory_space<vmem>> -> memref<1x1x768xi32, #tpu.memory_space<vmem>>
        %dma_start3A_283 = tpu.memref_squeeze %dma_start3A_282 : memref<1x1x768xi32, #tpu.memory_space<vmem>> -> memref<768xi32, #tpu.memory_space<vmem>>
        %dma_start3A_284 = arith.constant 0 : i32
        %dma_start3A_285 = arith.constant 0 : i32
        %dma_start3A_286 = tpu.memref_slice %arg3[%dma_start3A_284, %dma_start3A_285] : memref<100352x16xf32, #tpu.memory_space<hbm>> -> memref<100352x16xf32, #tpu.memory_space<hbm>>
        tpu.enqueue_indirect_dma source(%dma_start3A_286 : memref<100352x16xf32, #tpu.memory_space<hbm>>) target(%dma_start3A_280 : memref<768x16xf32, #tpu.memory_space<vmem>>) offsets(%dma_start3A_283 : memref<768xi32, #tpu.memory_space<vmem>>) semaphore(%arg9 : memref<!tpu.dma_semaphore, #tpu.memory_space<semaphore_mem>>)
      } else {
      }
    }
    %scan3A_41 = arith.constant 65 : i32
    %dma_wait3A = arith.constant 0 : i32
    %dma_wait3A_42 = arith.constant 0 : i32
    %dma_wait3A_43 = arith.constant 1 : i32
    %dma_wait3A_44 = arith.constant 0 : i32
    %dma_wait3A_45 = arith.constant 0 : i32
    %dma_wait3A_46 = tpu.memref_slice %arg8[%dma_wait3A, %dma_wait3A_44, %dma_wait3A_45] : memref<2x768x16xf32, #tpu.memory_space<vmem>> -> memref<1x768x16xf32, #tpu.memory_space<vmem>>
    %dma_wait3A_47 = tpu.memref_squeeze %dma_wait3A_46 : memref<1x768x16xf32, #tpu.memory_space<vmem>> -> memref<768x16xf32, #tpu.memory_space<vmem>>
    %dma_wait3A_48 = arith.constant 0 : i32
    %dma_wait3A_49 = tpu.memref_slice %arg7[%dma_wait3A_42, %dma_wait3A_43, %dma_wait3A_48] : memref<2x2x768xi32, #tpu.memory_space<vmem>> -> memref<1x1x768xi32, #tpu.memory_space<vmem>>
    %dma_wait3A_50 = tpu.memref_squeeze %dma_wait3A_49 : memref<1x1x768xi32, #tpu.memory_space<vmem>> -> memref<768xi32, #tpu.memory_space<vmem>>
    %dma_wait3A_51 = arith.constant 0 : i32
    %dma_wait3A_52 = arith.constant 0 : i32
    %dma_wait3A_53 = tpu.memref_slice %arg6[%dma_wait3A_51, %dma_wait3A_52] : memref<100352x16xf32, #tpu.memory_space<vmem_shared>> -> memref<100352x16xf32, #tpu.memory_space<vmem_shared>>
    tpu.wait_indirect_dma semaphore(%arg10 : memref<!tpu.dma_semaphore, #tpu.memory_space<semaphore_mem>>) src(%dma_wait3A_47 : memref<768x16xf32, #tpu.memory_space<vmem>>) dst(%dma_wait3A_53 : memref<100352x16xf32, #tpu.memory_space<vmem_shared>>)
    %dma_wait3A_54 = arith.constant 1 : i32
    %dma_wait3A_55 = arith.constant 1 : i32
    %dma_wait3A_56 = arith.constant 1 : i32
    %dma_wait3A_57 = arith.constant 0 : i32
    %dma_wait3A_58 = arith.constant 0 : i32
    %dma_wait3A_59 = tpu.memref_slice %arg8[%dma_wait3A_54, %dma_wait3A_57, %dma_wait3A_58] : memref<2x768x16xf32, #tpu.memory_space<vmem>> -> memref<1x768x16xf32, #tpu.memory_space<vmem>>
    %dma_wait3A_60 = tpu.memref_squeeze %dma_wait3A_59 : memref<1x768x16xf32, #tpu.memory_space<vmem>> -> memref<768x16xf32, #tpu.memory_space<vmem>>
    %dma_wait3A_61 = arith.constant 0 : i32
    %dma_wait3A_62 = tpu.memref_slice %arg7[%dma_wait3A_55, %dma_wait3A_56, %dma_wait3A_61] : memref<2x2x768xi32, #tpu.memory_space<vmem>> -> memref<1x1x768xi32, #tpu.memory_space<vmem>>
    %dma_wait3A_63 = tpu.memref_squeeze %dma_wait3A_62 : memref<1x1x768xi32, #tpu.memory_space<vmem>> -> memref<768xi32, #tpu.memory_space<vmem>>
    %dma_wait3A_64 = arith.constant 0 : i32
    %dma_wait3A_65 = arith.constant 0 : i32
    %dma_wait3A_66 = tpu.memref_slice %arg6[%dma_wait3A_64, %dma_wait3A_65] : memref<100352x16xf32, #tpu.memory_space<vmem_shared>> -> memref<100352x16xf32, #tpu.memory_space<vmem_shared>>
    tpu.wait_indirect_dma semaphore(%arg10 : memref<!tpu.dma_semaphore, #tpu.memory_space<semaphore_mem>>) src(%dma_wait3A_60 : memref<768x16xf32, #tpu.memory_space<vmem>>) dst(%dma_wait3A_66 : memref<100352x16xf32, #tpu.memory_space<vmem_shared>>)
    %add3A_67 = arith.constant 99840 : i32
    %add3A_68 = arith.addi %mul3A_6, %add3A_67 : i32
    %run_scoped3A_69 = arith.constant 0 : i32
    "tpu.region"() ({
      %run_scoped3A_90 = tpu.sem_alloc : memref<!tpu.dma_semaphore, #tpu.memory_space<semaphore_mem>>
      %dma_start3A_91 = arith.constant 0 : i32
      %dma_start3A_92 = arith.constant 0 : i32
      %dma_start3A_93 = tpu.memref_slice %arg7[%run_scoped3A_69, %dma_start3A_91, %dma_start3A_92] : memref<2x2x768xi32, #tpu.memory_space<vmem>> -> memref<1x2x128xi32, #tpu.memory_space<vmem>>
      %dma_start3A_94 = tpu.memref_squeeze %dma_start3A_93 : memref<1x2x128xi32, #tpu.memory_space<vmem>> -> memref<2x128xi32, #tpu.memory_space<vmem>>
      %dma_start3A_95 = arith.constant 0 : i32
      %dma_start3A_96 = tpu.memref_slice %arg2[%dma_start3A_95, %add3A_68] : memref<2x3200000xi32, #tpu.memory_space<hbm>> -> memref<2x128xi32, #tpu.memory_space<hbm>>
      %dma_start3A_97 = arith.constant 0 : i32
      %dma_start3A_98 = arith.constant 0 : i32
      %dma_start3A_99 = tpu.memref_slice %arg7[%run_scoped3A_69, %dma_start3A_97, %dma_start3A_98] : memref<2x2x768xi32, #tpu.memory_space<vmem>> -> memref<1x2x128xi32, #tpu.memory_space<vmem>>
      %dma_start3A_100 = tpu.memref_squeeze %dma_start3A_99 : memref<1x2x128xi32, #tpu.memory_space<vmem>> -> memref<2x128xi32, #tpu.memory_space<vmem>>
      %dma_start3A_101 = arith.constant 0 : i32
      %dma_start3A_102 = tpu.memref_slice %arg2[%dma_start3A_101, %add3A_68] : memref<2x3200000xi32, #tpu.memory_space<hbm>> -> memref<2x128xi32, #tpu.memory_space<hbm>>
      tpu.enqueue_dma source(%dma_start3A_102 : memref<2x128xi32, #tpu.memory_space<hbm>>) target(%dma_start3A_100 : memref<2x128xi32, #tpu.memory_space<vmem>>) target_semaphore(%run_scoped3A_90 : memref<!tpu.dma_semaphore, #tpu.memory_space<semaphore_mem>>)
      %dma_wait3A_103 = arith.constant 0 : i32
      %dma_wait3A_104 = arith.constant 0 : i32
      %dma_wait3A_105 = tpu.memref_slice %arg7[%run_scoped3A_69, %dma_wait3A_103, %dma_wait3A_104] : memref<2x2x768xi32, #tpu.memory_space<vmem>> -> memref<1x2x128xi32, #tpu.memory_space<vmem>>
      %dma_wait3A_106 = tpu.memref_squeeze %dma_wait3A_105 : memref<1x2x128xi32, #tpu.memory_space<vmem>> -> memref<2x128xi32, #tpu.memory_space<vmem>>
      %dma_wait3A_107 = arith.constant 0 : i32
      %dma_wait3A_108 = tpu.memref_slice %arg2[%dma_wait3A_107, %add3A_68] : memref<2x3200000xi32, #tpu.memory_space<hbm>> -> memref<2x128xi32, #tpu.memory_space<hbm>>
      %dma_wait3A_109 = arith.constant 0 : i32
      %dma_wait3A_110 = arith.constant 0 : i32
      %dma_wait3A_111 = tpu.memref_slice %arg7[%run_scoped3A_69, %dma_wait3A_109, %dma_wait3A_110] : memref<2x2x768xi32, #tpu.memory_space<vmem>> -> memref<1x2x128xi32, #tpu.memory_space<vmem>>
      %dma_wait3A_112 = tpu.memref_squeeze %dma_wait3A_111 : memref<1x2x128xi32, #tpu.memory_space<vmem>> -> memref<2x128xi32, #tpu.memory_space<vmem>>
      %dma_wait3A_113 = arith.constant 0 : i32
      %dma_wait3A_114 = tpu.memref_slice %arg2[%dma_wait3A_113, %add3A_68] : memref<2x3200000xi32, #tpu.memory_space<hbm>> -> memref<2x128xi32, #tpu.memory_space<hbm>>
      tpu.wait_dma2 semaphore(%run_scoped3A_90 : memref<!tpu.dma_semaphore, #tpu.memory_space<semaphore_mem>>) src(%dma_wait3A_114 : memref<2x128xi32, #tpu.memory_space<hbm>>) dst(%dma_wait3A_112 : memref<2x128xi32, #tpu.memory_space<vmem>>)
      tpu.yield
    }) : () -> ()
    %run_scoped3A_70 = arith.constant 0 : i32
    %run_scoped3A_71 = arith.constant 0 : i32
    %run_scoped3A_72 = arith.constant 0 : i32
    "tpu.region"() ({
      %run_scoped3A_90 = tpu.sem_alloc : memref<!tpu.dma_semaphore, #tpu.memory_space<semaphore_mem>>
      %dma_start3A_91 = arith.constant 0 : i32
      %dma_start3A_92 = arith.constant 0 : i32
      %dma_start3A_93 = tpu.memref_slice %arg8[%run_scoped3A_72, %dma_start3A_91, %dma_start3A_92] : memref<2x768x16xf32, #tpu.memory_space<vmem>> -> memref<1x128x16xf32, #tpu.memory_space<vmem>>
      %dma_start3A_94 = tpu.memref_squeeze %dma_start3A_93 : memref<1x128x16xf32, #tpu.memory_space<vmem>> -> memref<128x16xf32, #tpu.memory_space<vmem>>
      %dma_start3A_95 = arith.constant 0 : i32
      %dma_start3A_96 = tpu.memref_slice %arg7[%run_scoped3A_70, %run_scoped3A_71, %dma_start3A_95] : memref<2x2x768xi32, #tpu.memory_space<vmem>> -> memref<1x1x128xi32, #tpu.memory_space<vmem>>
      %dma_start3A_97 = tpu.memref_squeeze %dma_start3A_96 : memref<1x1x128xi32, #tpu.memory_space<vmem>> -> memref<128xi32, #tpu.memory_space<vmem>>
      %dma_start3A_98 = arith.constant 0 : i32
      %dma_start3A_99 = arith.constant 0 : i32
      %dma_start3A_100 = tpu.memref_slice %arg3[%dma_start3A_98, %dma_start3A_99] : memref<100352x16xf32, #tpu.memory_space<hbm>> -> memref<100352x16xf32, #tpu.memory_space<hbm>>
      tpu.enqueue_indirect_dma source(%dma_start3A_100 : memref<100352x16xf32, #tpu.memory_space<hbm>>) target(%dma_start3A_94 : memref<128x16xf32, #tpu.memory_space<vmem>>) offsets(%dma_start3A_97 : memref<128xi32, #tpu.memory_space<vmem>>) semaphore(%run_scoped3A_90 : memref<!tpu.dma_semaphore, #tpu.memory_space<semaphore_mem>>)
      %dma_wait3A_101 = arith.constant 0 : i32
      %dma_wait3A_102 = arith.constant 0 : i32
      %dma_wait3A_103 = tpu.memref_slice %arg8[%run_scoped3A_72, %dma_wait3A_101, %dma_wait3A_102] : memref<2x768x16xf32, #tpu.memory_space<vmem>> -> memref<1x128x16xf32, #tpu.memory_space<vmem>>
      %dma_wait3A_104 = tpu.memref_squeeze %dma_wait3A_103 : memref<1x128x16xf32, #tpu.memory_space<vmem>> -> memref<128x16xf32, #tpu.memory_space<vmem>>
      %dma_wait3A_105 = arith.constant 0 : i32
      %dma_wait3A_106 = tpu.memref_slice %arg7[%run_scoped3A_70, %run_scoped3A_71, %dma_wait3A_105] : memref<2x2x768xi32, #tpu.memory_space<vmem>> -> memref<1x1x128xi32, #tpu.memory_space<vmem>>
      %dma_wait3A_107 = tpu.memref_squeeze %dma_wait3A_106 : memref<1x1x128xi32, #tpu.memory_space<vmem>> -> memref<128xi32, #tpu.memory_space<vmem>>
      %dma_wait3A_108 = arith.constant 0 : i32
      %dma_wait3A_109 = arith.constant 0 : i32
      %dma_wait3A_110 = tpu.memref_slice %arg3[%dma_wait3A_108, %dma_wait3A_109] : memref<100352x16xf32, #tpu.memory_space<hbm>> -> memref<100352x16xf32, #tpu.memory_space<hbm>>
      tpu.wait_indirect_dma semaphore(%run_scoped3A_90 : memref<!tpu.dma_semaphore, #tpu.memory_space<semaphore_mem>>) src(%dma_wait3A_110 : memref<100352x16xf32, #tpu.memory_space<hbm>>) dst(%dma_wait3A_104 : memref<128x16xf32, #tpu.memory_space<vmem>>)
      tpu.yield
    }) : () -> ()
    %run_scoped3A_73 = arith.constant 0 : i32
    %run_scoped3A_74 = arith.constant 0 : i32
    %run_scoped3A_75 = arith.constant 1 : i32
    "tpu.region"() ({
      %run_scoped3A_90 = tpu.sem_alloc : memref<!tpu.dma_semaphore, #tpu.memory_space<semaphore_mem>>
      %dma_start3A_91 = arith.constant 0 : i32
      %dma_start3A_92 = arith.constant 0 : i32
      %dma_start3A_93 = tpu.memref_slice %arg8[%run_scoped3A_73, %dma_start3A_91, %dma_start3A_92] : memref<2x768x16xf32, #tpu.memory_space<vmem>> -> memref<1x128x16xf32, #tpu.memory_space<vmem>>
      %dma_start3A_94 = tpu.memref_squeeze %dma_start3A_93 : memref<1x128x16xf32, #tpu.memory_space<vmem>> -> memref<128x16xf32, #tpu.memory_space<vmem>>
      %dma_start3A_95 = arith.constant 0 : i32
      %dma_start3A_96 = tpu.memref_slice %arg7[%run_scoped3A_74, %run_scoped3A_75, %dma_start3A_95] : memref<2x2x768xi32, #tpu.memory_space<vmem>> -> memref<1x1x128xi32, #tpu.memory_space<vmem>>
      %dma_start3A_97 = tpu.memref_squeeze %dma_start3A_96 : memref<1x1x128xi32, #tpu.memory_space<vmem>> -> memref<128xi32, #tpu.memory_space<vmem>>
      %dma_start3A_98 = arith.constant 0 : i32
      %dma_start3A_99 = arith.constant 0 : i32
      %dma_start3A_100 = tpu.memref_slice %arg6[%dma_start3A_98, %dma_start3A_99] : memref<100352x16xf32, #tpu.memory_space<vmem_shared>> -> memref<100352x16xf32, #tpu.memory_space<vmem_shared>>
      tpu.enqueue_indirect_dma source(%dma_start3A_94 : memref<128x16xf32, #tpu.memory_space<vmem>>) target(%dma_start3A_100 : memref<100352x16xf32, #tpu.memory_space<vmem_shared>>) offsets(%dma_start3A_97 : memref<128xi32, #tpu.memory_space<vmem>>) semaphore(%run_scoped3A_90 : memref<!tpu.dma_semaphore, #tpu.memory_space<semaphore_mem>>) {add = true}
      %dma_wait3A_101 = arith.constant 0 : i32
      %dma_wait3A_102 = arith.constant 0 : i32
      %dma_wait3A_103 = tpu.memref_slice %arg8[%run_scoped3A_73, %dma_wait3A_101, %dma_wait3A_102] : memref<2x768x16xf32, #tpu.memory_space<vmem>> -> memref<1x128x16xf32, #tpu.memory_space<vmem>>
      %dma_wait3A_104 = tpu.memref_squeeze %dma_wait3A_103 : memref<1x128x16xf32, #tpu.memory_space<vmem>> -> memref<128x16xf32, #tpu.memory_space<vmem>>
      %dma_wait3A_105 = arith.constant 0 : i32
      %dma_wait3A_106 = tpu.memref_slice %arg7[%run_scoped3A_74, %run_scoped3A_75, %dma_wait3A_105] : memref<2x2x768xi32, #tpu.memory_space<vmem>> -> memref<1x1x128xi32, #tpu.memory_space<vmem>>
      %dma_wait3A_107 = tpu.memref_squeeze %dma_wait3A_106 : memref<1x1x128xi32, #tpu.memory_space<vmem>> -> memref<128xi32, #tpu.memory_space<vmem>>
      %dma_wait3A_108 = arith.constant 0 : i32
      %dma_wait3A_109 = arith.constant 0 : i32
      %dma_wait3A_110 = tpu.memref_slice %arg6[%dma_wait3A_108, %dma_wait3A_109] : memref<100352x16xf32, #tpu.memory_space<vmem_shared>> -> memref<100352x16xf32, #tpu.memory_space<vmem_shared>>
      tpu.wait_indirect_dma semaphore(%run_scoped3A_90 : memref<!tpu.dma_semaphore, #tpu.memory_space<semaphore_mem>>) src(%dma_wait3A_104 : memref<128x16xf32, #tpu.memory_space<vmem>>) dst(%dma_wait3A_110 : memref<100352x16xf32, #tpu.memory_space<vmem_shared>>)
      tpu.yield
    }) : () -> ()
    %add3A_76 = arith.constant 99968 : i32
    %add3A_77 = arith.addi %mul3A_6, %add3A_76 : i32
    %run_scoped3A_78 = arith.constant 0 : i32
    "tpu.region"() ({
      %run_scoped3A_90 = tpu.sem_alloc : memref<!tpu.dma_semaphore, #tpu.memory_space<semaphore_mem>>
      %dma_start3A_91 = arith.constant 0 : i32
      %dma_start3A_92 = arith.constant 0 : i32
      %dma_start3A_93 = tpu.memref_slice %arg7[%run_scoped3A_78, %dma_start3A_91, %dma_start3A_92] : memref<2x2x768xi32, #tpu.memory_space<vmem>> -> memref<1x2x32xi32, #tpu.memory_space<vmem>>
      %dma_start3A_94 = tpu.memref_squeeze %dma_start3A_93 : memref<1x2x32xi32, #tpu.memory_space<vmem>> -> memref<2x32xi32, #tpu.memory_space<vmem>>
      %dma_start3A_95 = arith.constant 0 : i32
      %dma_start3A_96 = tpu.memref_slice %arg2[%dma_start3A_95, %add3A_77] : memref<2x3200000xi32, #tpu.memory_space<hbm>> -> memref<2x32xi32, #tpu.memory_space<hbm>>
      %dma_start3A_97 = arith.constant 0 : i32
      %dma_start3A_98 = arith.constant 0 : i32
      %dma_start3A_99 = tpu.memref_slice %arg7[%run_scoped3A_78, %dma_start3A_97, %dma_start3A_98] : memref<2x2x768xi32, #tpu.memory_space<vmem>> -> memref<1x2x32xi32, #tpu.memory_space<vmem>>
      %dma_start3A_100 = tpu.memref_squeeze %dma_start3A_99 : memref<1x2x32xi32, #tpu.memory_space<vmem>> -> memref<2x32xi32, #tpu.memory_space<vmem>>
      %dma_start3A_101 = arith.constant 0 : i32
      %dma_start3A_102 = tpu.memref_slice %arg2[%dma_start3A_101, %add3A_77] : memref<2x3200000xi32, #tpu.memory_space<hbm>> -> memref<2x32xi32, #tpu.memory_space<hbm>>
      tpu.enqueue_dma source(%dma_start3A_102 : memref<2x32xi32, #tpu.memory_space<hbm>>) target(%dma_start3A_100 : memref<2x32xi32, #tpu.memory_space<vmem>>) target_semaphore(%run_scoped3A_90 : memref<!tpu.dma_semaphore, #tpu.memory_space<semaphore_mem>>)
      %dma_wait3A_103 = arith.constant 0 : i32
      %dma_wait3A_104 = arith.constant 0 : i32
      %dma_wait3A_105 = tpu.memref_slice %arg7[%run_scoped3A_78, %dma_wait3A_103, %dma_wait3A_104] : memref<2x2x768xi32, #tpu.memory_space<vmem>> -> memref<1x2x32xi32, #tpu.memory_space<vmem>>
      %dma_wait3A_106 = tpu.memref_squeeze %dma_wait3A_105 : memref<1x2x32xi32, #tpu.memory_space<vmem>> -> memref<2x32xi32, #tpu.memory_space<vmem>>
      %dma_wait3A_107 = arith.constant 0 : i32
      %dma_wait3A_108 = tpu.memref_slice %arg2[%dma_wait3A_107, %add3A_77] : memref<2x3200000xi32, #tpu.memory_space<hbm>> -> memref<2x32xi32, #tpu.memory_space<hbm>>
      %dma_wait3A_109 = arith.constant 0 : i32
      %dma_wait3A_110 = arith.constant 0 : i32
      %dma_wait3A_111 = tpu.memref_slice %arg7[%run_scoped3A_78, %dma_wait3A_109, %dma_wait3A_110] : memref<2x2x768xi32, #tpu.memory_space<vmem>> -> memref<1x2x32xi32, #tpu.memory_space<vmem>>
      %dma_wait3A_112 = tpu.memref_squeeze %dma_wait3A_111 : memref<1x2x32xi32, #tpu.memory_space<vmem>> -> memref<2x32xi32, #tpu.memory_space<vmem>>
      %dma_wait3A_113 = arith.constant 0 : i32
      %dma_wait3A_114 = tpu.memref_slice %arg2[%dma_wait3A_113, %add3A_77] : memref<2x3200000xi32, #tpu.memory_space<hbm>> -> memref<2x32xi32, #tpu.memory_space<hbm>>
      tpu.wait_dma2 semaphore(%run_scoped3A_90 : memref<!tpu.dma_semaphore, #tpu.memory_space<semaphore_mem>>) src(%dma_wait3A_114 : memref<2x32xi32, #tpu.memory_space<hbm>>) dst(%dma_wait3A_112 : memref<2x32xi32, #tpu.memory_space<vmem>>)
      tpu.yield
    }) : () -> ()
    %run_scoped3A_79 = arith.constant 0 : i32
    %run_scoped3A_80 = arith.constant 0 : i32
    %run_scoped3A_81 = arith.constant 0 : i32
    "tpu.region"() ({
      %run_scoped3A_90 = tpu.sem_alloc : memref<!tpu.dma_semaphore, #tpu.memory_space<semaphore_mem>>
      %dma_start3A_91 = arith.constant 0 : i32
      %dma_start3A_92 = arith.constant 0 : i32
      %dma_start3A_93 = tpu.memref_slice %arg8[%run_scoped3A_81, %dma_start3A_91, %dma_start3A_92] : memref<2x768x16xf32, #tpu.memory_space<vmem>> -> memref<1x32x16xf32, #tpu.memory_space<vmem>>
      %dma_start3A_94 = tpu.memref_squeeze %dma_start3A_93 : memref<1x32x16xf32, #tpu.memory_space<vmem>> -> memref<32x16xf32, #tpu.memory_space<vmem>>
      %dma_start3A_95 = arith.constant 0 : i32
      %dma_start3A_96 = tpu.memref_slice %arg7[%run_scoped3A_79, %run_scoped3A_80, %dma_start3A_95] : memref<2x2x768xi32, #tpu.memory_space<vmem>> -> memref<1x1x32xi32, #tpu.memory_space<vmem>>
      %dma_start3A_97 = tpu.memref_squeeze %dma_start3A_96 : memref<1x1x32xi32, #tpu.memory_space<vmem>> -> memref<32xi32, #tpu.memory_space<vmem>>
      %dma_start3A_98 = arith.constant 0 : i32
      %dma_start3A_99 = arith.constant 0 : i32
      %dma_start3A_100 = tpu.memref_slice %arg3[%dma_start3A_98, %dma_start3A_99] : memref<100352x16xf32, #tpu.memory_space<hbm>> -> memref<100352x16xf32, #tpu.memory_space<hbm>>
      tpu.enqueue_indirect_dma source(%dma_start3A_100 : memref<100352x16xf32, #tpu.memory_space<hbm>>) target(%dma_start3A_94 : memref<32x16xf32, #tpu.memory_space<vmem>>) offsets(%dma_start3A_97 : memref<32xi32, #tpu.memory_space<vmem>>) semaphore(%run_scoped3A_90 : memref<!tpu.dma_semaphore, #tpu.memory_space<semaphore_mem>>)
      %dma_wait3A_101 = arith.constant 0 : i32
      %dma_wait3A_102 = arith.constant 0 : i32
      %dma_wait3A_103 = tpu.memref_slice %arg8[%run_scoped3A_81, %dma_wait3A_101, %dma_wait3A_102] : memref<2x768x16xf32, #tpu.memory_space<vmem>> -> memref<1x32x16xf32, #tpu.memory_space<vmem>>
      %dma_wait3A_104 = tpu.memref_squeeze %dma_wait3A_103 : memref<1x32x16xf32, #tpu.memory_space<vmem>> -> memref<32x16xf32, #tpu.memory_space<vmem>>
      %dma_wait3A_105 = arith.constant 0 : i32
      %dma_wait3A_106 = tpu.memref_slice %arg7[%run_scoped3A_79, %run_scoped3A_80, %dma_wait3A_105] : memref<2x2x768xi32, #tpu.memory_space<vmem>> -> memref<1x1x32xi32, #tpu.memory_space<vmem>>
      %dma_wait3A_107 = tpu.memref_squeeze %dma_wait3A_106 : memref<1x1x32xi32, #tpu.memory_space<vmem>> -> memref<32xi32, #tpu.memory_space<vmem>>
      %dma_wait3A_108 = arith.constant 0 : i32
      %dma_wait3A_109 = arith.constant 0 : i32
      %dma_wait3A_110 = tpu.memref_slice %arg3[%dma_wait3A_108, %dma_wait3A_109] : memref<100352x16xf32, #tpu.memory_space<hbm>> -> memref<100352x16xf32, #tpu.memory_space<hbm>>
      tpu.wait_indirect_dma semaphore(%run_scoped3A_90 : memref<!tpu.dma_semaphore, #tpu.memory_space<semaphore_mem>>) src(%dma_wait3A_110 : memref<100352x16xf32, #tpu.memory_space<hbm>>) dst(%dma_wait3A_104 : memref<32x16xf32, #tpu.memory_space<vmem>>)
      tpu.yield
    }) : () -> ()
    %run_scoped3A_82 = arith.constant 0 : i32
    %run_scoped3A_83 = arith.constant 0 : i32
    %run_scoped3A_84 = arith.constant 1 : i32
    "tpu.region"() ({
      %run_scoped3A_90 = tpu.sem_alloc : memref<!tpu.dma_semaphore, #tpu.memory_space<semaphore_mem>>
      %dma_start3A_91 = arith.constant 0 : i32
      %dma_start3A_92 = arith.constant 0 : i32
      %dma_start3A_93 = tpu.memref_slice %arg8[%run_scoped3A_82, %dma_start3A_91, %dma_start3A_92] : memref<2x768x16xf32, #tpu.memory_space<vmem>> -> memref<1x32x16xf32, #tpu.memory_space<vmem>>
      %dma_start3A_94 = tpu.memref_squeeze %dma_start3A_93 : memref<1x32x16xf32, #tpu.memory_space<vmem>> -> memref<32x16xf32, #tpu.memory_space<vmem>>
      %dma_start3A_95 = arith.constant 0 : i32
      %dma_start3A_96 = tpu.memref_slice %arg7[%run_scoped3A_83, %run_scoped3A_84, %dma_start3A_95] : memref<2x2x768xi32, #tpu.memory_space<vmem>> -> memref<1x1x32xi32, #tpu.memory_space<vmem>>
      %dma_start3A_97 = tpu.memref_squeeze %dma_start3A_96 : memref<1x1x32xi32, #tpu.memory_space<vmem>> -> memref<32xi32, #tpu.memory_space<vmem>>
      %dma_start3A_98 = arith.constant 0 : i32
      %dma_start3A_99 = arith.constant 0 : i32
      %dma_start3A_100 = tpu.memref_slice %arg6[%dma_start3A_98, %dma_start3A_99] : memref<100352x16xf32, #tpu.memory_space<vmem_shared>> -> memref<100352x16xf32, #tpu.memory_space<vmem_shared>>
      tpu.enqueue_indirect_dma source(%dma_start3A_94 : memref<32x16xf32, #tpu.memory_space<vmem>>) target(%dma_start3A_100 : memref<100352x16xf32, #tpu.memory_space<vmem_shared>>) offsets(%dma_start3A_97 : memref<32xi32, #tpu.memory_space<vmem>>) semaphore(%run_scoped3A_90 : memref<!tpu.dma_semaphore, #tpu.memory_space<semaphore_mem>>) {add = true}
      %dma_wait3A_101 = arith.constant 0 : i32
      %dma_wait3A_102 = arith.constant 0 : i32
      %dma_wait3A_103 = tpu.memref_slice %arg8[%run_scoped3A_82, %dma_wait3A_101, %dma_wait3A_102] : memref<2x768x16xf32, #tpu.memory_space<vmem>> -> memref<1x32x16xf32, #tpu.memory_space<vmem>>
      %dma_wait3A_104 = tpu.memref_squeeze %dma_wait3A_103 : memref<1x32x16xf32, #tpu.memory_space<vmem>> -> memref<32x16xf32, #tpu.memory_space<vmem>>
      %dma_wait3A_105 = arith.constant 0 : i32
      %dma_wait3A_106 = tpu.memref_slice %arg7[%run_scoped3A_83, %run_scoped3A_84, %dma_wait3A_105] : memref<2x2x768xi32, #tpu.memory_space<vmem>> -> memref<1x1x32xi32, #tpu.memory_space<vmem>>
      %dma_wait3A_107 = tpu.memref_squeeze %dma_wait3A_106 : memref<1x1x32xi32, #tpu.memory_space<vmem>> -> memref<32xi32, #tpu.memory_space<vmem>>
      %dma_wait3A_108 = arith.constant 0 : i32
      %dma_wait3A_109 = arith.constant 0 : i32
      %dma_wait3A_110 = tpu.memref_slice %arg6[%dma_wait3A_108, %dma_wait3A_109] : memref<100352x16xf32, #tpu.memory_space<vmem_shared>> -> memref<100352x16xf32, #tpu.memory_space<vmem_shared>>
      tpu.wait_indirect_dma semaphore(%run_scoped3A_90 : memref<!tpu.dma_semaphore, #tpu.memory_space<semaphore_mem>>) src(%dma_wait3A_104 : memref<32x16xf32, #tpu.memory_space<vmem>>) dst(%dma_wait3A_110 : memref<100352x16xf32, #tpu.memory_space<vmem_shared>>)
      tpu.yield
    }) : () -> ()
    %barrier3A_85 = arith.constant 0 : index
    tpu.barrier barrier_id(%barrier3A_85)
    %mul3A_86 = arith.constant 6272 : i32
    %mul3A_87 = arith.muli %arg1, %mul3A_86 : i32
    %mul3A_88 = arith.constant 6272 : i32
    %mul3A_89 = arith.muli %arg1, %mul3A_88 : i32
    "tpu.region"() ({
      %run_scoped3A_90 = tpu.sem_alloc : memref<!tpu.dma_semaphore, #tpu.memory_space<semaphore_mem>>
      %dma_start3A_91 = arith.constant 0 : i32
      %dma_start3A_92 = tpu.memref_slice %arg5[%arg0, %mul3A_89, %dma_start3A_91] : memref<2x100352x16xf32, #tpu.memory_space<hbm>> -> memref<1x6272x16xf32, #tpu.memory_space<hbm>>
      %dma_start3A_93 = tpu.memref_squeeze %dma_start3A_92 : memref<1x6272x16xf32, #tpu.memory_space<hbm>> -> memref<6272x16xf32, #tpu.memory_space<hbm>>
      %dma_start3A_94 = arith.constant 0 : i32
      %dma_start3A_95 = tpu.memref_slice %arg6[%mul3A_87, %dma_start3A_94] : memref<100352x16xf32, #tpu.memory_space<vmem_shared>> -> memref<6272x16xf32, #tpu.memory_space<vmem_shared>>
      tpu.enqueue_dma source(%dma_start3A_95 : memref<6272x16xf32, #tpu.memory_space<vmem_shared>>) target(%dma_start3A_93 : memref<6272x16xf32, #tpu.memory_space<hbm>>) target_semaphore(%run_scoped3A_90 : memref<!tpu.dma_semaphore, #tpu.memory_space<semaphore_mem>>)
      %dma_wait3A_96 = arith.constant 0 : i32
      %dma_wait3A_97 = tpu.memref_slice %arg5[%arg0, %mul3A_89, %dma_wait3A_96] : memref<2x100352x16xf32, #tpu.memory_space<hbm>> -> memref<1x6272x16xf32, #tpu.memory_space<hbm>>
      %dma_wait3A_98 = tpu.memref_squeeze %dma_wait3A_97 : memref<1x6272x16xf32, #tpu.memory_space<hbm>> -> memref<6272x16xf32, #tpu.memory_space<hbm>>
      %dma_wait3A_99 = arith.constant 0 : i32
      %dma_wait3A_100 = tpu.memref_slice %arg6[%mul3A_87, %dma_wait3A_99] : memref<100352x16xf32, #tpu.memory_space<vmem_shared>> -> memref<6272x16xf32, #tpu.memory_space<vmem_shared>>
      tpu.wait_dma2 semaphore(%run_scoped3A_90 : memref<!tpu.dma_semaphore, #tpu.memory_space<semaphore_mem>>) src(%dma_wait3A_100 : memref<6272x16xf32, #tpu.memory_space<vmem_shared>>) dst(%dma_wait3A_98 : memref<6272x16xf32, #tpu.memory_space<hbm>>)
      tpu.yield
    }) : () -> ()
    return
  }
}

module attributes {stable_mosaic.version = 14 : i64} {
  func.func @_tc_scale_body(%arg0: i32, %arg1: memref<256x128xf32, #tpu.memory_space<vmem>>, %arg2: memref<256x128xf32, #tpu.memory_space<vmem>>, %arg3: memref<256x128xf32, #tpu.memory_space<vmem>>) attributes {dimension_semantics = [#tpu.dimension_semantics<arbitrary>], iteration_bounds = array<i64: 49>, scalar_prefetch = 0 : i64, scratch_operands = 0 : i64, tpu.core_type = #tpu.core_type<tc>, window_params = [{transform_indices = @transform_0, window_bounds = array<i64: 256, 128>}, {transform_indices = @transform_1, window_bounds = array<i64: 256, 128>}, {transform_indices = @transform_2, window_bounds = array<i64: 256, 128>}]} {
    %get3A = arith.constant 0 : index
    %get3A_0 = arith.constant 0 : index
    %get3A_1 = vector.load %arg1[%get3A, %get3A_0] : memref<256x128xf32, #tpu.memory_space<vmem>>, vector<256x128xf32>
    %add3A = arith.constant 1.000000e+00 : f32
    %add3A_2 = vector.broadcast %add3A : f32 to vector<256x128xf32>
    %add3A_3 = arith.addf %get3A_1, %add3A_2 : vector<256x128xf32>
    %rsqrt3A = math.rsqrt %add3A_3 : vector<256x128xf32>
    %get3A_4 = arith.constant 0 : index
    %get3A_5 = arith.constant 0 : index
    %get3A_6 = vector.load %arg2[%get3A_4, %get3A_5] : memref<256x128xf32, #tpu.memory_space<vmem>>, vector<256x128xf32>
    %mul3A = arith.mulf %get3A_6, %rsqrt3A : vector<256x128xf32>
    %swap3A = arith.constant 0 : index
    %swap3A_7 = arith.constant 0 : index
    %swap3A_8 = vector.load %arg3[%swap3A, %swap3A_7] : memref<256x128xf32, #tpu.memory_space<vmem>>, vector<256x128xf32>
    tpu.vector_store %arg3[%swap3A, %swap3A_7], %mul3A {strides = array<i32>} : memref<256x128xf32, #tpu.memory_space<vmem>>, vector<256x128xf32>,
    return
  }
  func.func @transform_0(%arg0: i32) -> (i32, i32) {
    %c0_i32 = arith.constant 0 : i32
    %c0_i32_0 = arith.constant 0 : i32
    return %arg0, %c0_i32 : i32, i32
  }
  func.func @transform_1(%arg0: i32) -> (i32, i32) {
    %c0_i32 = arith.constant 0 : i32
    %c0_i32_0 = arith.constant 0 : i32
    return %arg0, %c0_i32 : i32, i32
  }
  func.func @transform_2(%arg0: i32) -> (i32, i32) {
    %c0_i32 = arith.constant 0 : i32
    %c0_i32_0 = arith.constant 0 : i32
    return %arg0, %c0_i32 : i32, i32
  }
}

module attributes {stable_mosaic.version = 14 : i64} {
  func.func @_tc_finish_body(%arg0: i32, %arg1: memref<2x256x128xf32, #tpu.memory_space<vmem>>, %arg2: memref<256x128xf32, #tpu.memory_space<vmem>>, %arg3: memref<256x128xf32, #tpu.memory_space<vmem>>, %arg4: memref<128x128xf32, #tpu.memory_space<vmem>>, %arg5: memref<1x128xf32, #tpu.memory_space<vmem>>, %arg6: memref<128x128xf32, #tpu.memory_space<vmem>>, %arg7: memref<256x128xf32, #tpu.memory_space<vmem>>, %arg8: memref<256x128xf32, #tpu.memory_space<vmem>>) attributes {dimension_semantics = [#tpu.dimension_semantics<arbitrary>], iteration_bounds = array<i64: 49>, scalar_prefetch = 0 : i64, scratch_operands = 0 : i64, tpu.core_type = #tpu.core_type<tc>, window_params = [{transform_indices = @transform_0, window_bounds = array<i64: 2, 256, 128>}, {transform_indices = @transform_1, window_bounds = array<i64: 256, 128>}, {transform_indices = @transform_2, window_bounds = array<i64: 256, 128>}, {pipeline_mode = #tpu.pipeline_mode<synchronous>, transform_indices = @transform_3, window_bounds = array<i64: 128, 128>}, {pipeline_mode = #tpu.pipeline_mode<synchronous>, transform_indices = @transform_4, window_bounds = array<i64: 1, 128>}, {pipeline_mode = #tpu.pipeline_mode<synchronous>, transform_indices = @transform_5, window_bounds = array<i64: 128, 128>}, {transform_indices = @transform_6, window_bounds = array<i64: 256, 128>}, {transform_indices = @transform_7, window_bounds = array<i64: 256, 128>}]} {
    %get3A = arith.constant 0 : index
    %get3A_0 = arith.constant 0 : index
    %get3A_1 = vector.load %arg3[%get3A, %get3A_0] : memref<256x128xf32, #tpu.memory_space<vmem>>, vector<256x128xf32>
    %add3A = arith.constant 1.000000e+00 : f32
    %add3A_2 = vector.broadcast %add3A : f32 to vector<256x128xf32>
    %add3A_3 = arith.addf %get3A_1, %add3A_2 : vector<256x128xf32>
    %rsqrt3A = math.rsqrt %add3A_3 : vector<256x128xf32>
    %get3A_4 = arith.constant 0 : index
    %get3A_5 = arith.constant 0 : index
    %get3A_6 = arith.constant 0 : index
    %get3A_7 = vector.load %arg1[%get3A_4, %get3A_5, %get3A_6] : memref<2x256x128xf32, #tpu.memory_space<vmem>>, vector<1x256x128xf32>
    %get3A_8 = vector.shape_cast %get3A_7 : vector<1x256x128xf32> to vector<256x128xf32>
    %get3A_9 = arith.constant 1 : index
    %get3A_10 = arith.constant 0 : index
    %get3A_11 = arith.constant 0 : index
    %get3A_12 = vector.load %arg1[%get3A_9, %get3A_10, %get3A_11] : memref<2x256x128xf32, #tpu.memory_space<vmem>>, vector<1x256x128xf32>
    %get3A_13 = vector.shape_cast %get3A_12 : vector<1x256x128xf32> to vector<256x128xf32>
    %add3A_14 = arith.addf %get3A_8, %get3A_13 : vector<256x128xf32>
    %get3A_15 = arith.constant 0 : index
    %get3A_16 = arith.constant 0 : index
    %get3A_17 = vector.load %arg2[%get3A_15, %get3A_16] : memref<256x128xf32, #tpu.memory_space<vmem>>, vector<256x128xf32>
    %add3A_18 = arith.addf %add3A_14, %get3A_17 : vector<256x128xf32>
    %mul3A = arith.mulf %add3A_18, %rsqrt3A : vector<256x128xf32>
    %get3A_19 = arith.constant 0 : index
    %get3A_20 = arith.constant 0 : index
    %get3A_21 = vector.load %arg4[%get3A_19, %get3A_20] : memref<128x128xf32, #tpu.memory_space<vmem>>, vector<128x128xf32>
    %dot_general3A = arith.constant dense<0.000000e+00> : vector<256x128xf32>
    %dot_general3A_22 = tpu.matmul %mul3A, %get3A_21, %dot_general3A {dimension_numbers = #tpu.dot_dimension_numbers<[1], [0], [0], [1], [0, 0, 1, 1], [], []>, transpose_lhs_hint = false} : vector<256x128xf32>, vector<128x128xf32>, vector<256x128xf32> -> vector<256x128xf32>
    %get3A_23 = arith.constant 0 : index
    %get3A_24 = arith.constant 0 : index
    %get3A_25 = vector.load %arg5[%get3A_23, %get3A_24] : memref<1x128xf32, #tpu.memory_space<vmem>>, vector<1x128xf32>
    %add3A_26 = vector.broadcast %get3A_25 : vector<1x128xf32> to vector<256x128xf32>
    %add3A_27 = arith.addf %dot_general3A_22, %add3A_26 : vector<256x128xf32>
    %reduce_max3A = arith.constant dense<0xFF800000> : vector<256xf32>
    %reduce_max3A_28 = vector.multi_reduction <maximumf>, %add3A_27, %reduce_max3A [1] : vector<256x128xf32> to vector<256xf32>
    %broadcast_in_dim3A = vector.shape_cast %reduce_max3A_28 : vector<256xf32> to vector<256x1xf32>
    %sub3A = vector.broadcast %broadcast_in_dim3A : vector<256x1xf32> to vector<256x128xf32>
    %sub3A_29 = arith.subf %add3A_27, %sub3A : vector<256x128xf32>
    %exp3A = math.exp %sub3A_29 : vector<256x128xf32>
    %get3A_30 = arith.constant 0 : index
    %get3A_31 = arith.constant 0 : index
    %get3A_32 = vector.load %arg6[%get3A_30, %get3A_31] : memref<128x128xf32, #tpu.memory_space<vmem>>, vector<128x128xf32>
    %dot_general3A_33 = arith.constant dense<0.000000e+00> : vector<256x128xf32>
    %dot_general3A_34 = tpu.matmul %exp3A, %get3A_32, %dot_general3A_33 {dimension_numbers = #tpu.dot_dimension_numbers<[1], [0], [0], [1], [0, 0, 1, 1], [], []>, transpose_lhs_hint = false} : vector<256x128xf32>, vector<128x128xf32>, vector<256x128xf32> -> vector<256x128xf32>
    %swap3A = arith.constant 0 : index
    %swap3A_35 = arith.constant 0 : index
    %swap3A_36 = vector.load %arg7[%swap3A, %swap3A_35] : memref<256x128xf32, #tpu.memory_space<vmem>>, vector<256x128xf32>
    tpu.vector_store %arg7[%swap3A, %swap3A_35], %add3A_27 {strides = array<i32>} : memref<256x128xf32, #tpu.memory_space<vmem>>, vector<256x128xf32>,
    %sub3A_37 = vector.broadcast %broadcast_in_dim3A : vector<256x1xf32> to vector<256x128xf32>
    %sub3A_38 = arith.subf %add3A_27, %sub3A_37 : vector<256x128xf32>
    %log3A = math.log %dot_general3A_34 : vector<256x128xf32>
    %sub3A_39 = arith.subf %sub3A_38, %log3A : vector<256x128xf32>
    %swap3A_40 = arith.constant 0 : index
    %swap3A_41 = arith.constant 0 : index
    %swap3A_42 = vector.load %arg8[%swap3A_40, %swap3A_41] : memref<256x128xf32, #tpu.memory_space<vmem>>, vector<256x128xf32>
    tpu.vector_store %arg8[%swap3A_40, %swap3A_41], %sub3A_39 {strides = array<i32>} : memref<256x128xf32, #tpu.memory_space<vmem>>, vector<256x128xf32>,
    return
  }
  func.func @transform_0(%arg0: i32) -> (i32, i32, i32) {
    %c0_i32 = arith.constant 0 : i32
    %c0_i32_0 = arith.constant 0 : i32
    %c0_i32_1 = arith.constant 0 : i32
    return %c0_i32, %arg0, %c0_i32_0 : i32, i32, i32
  }
  func.func @transform_1(%arg0: i32) -> (i32, i32) {
    %c0_i32 = arith.constant 0 : i32
    %c0_i32_0 = arith.constant 0 : i32
    return %arg0, %c0_i32 : i32, i32
  }
  func.func @transform_2(%arg0: i32) -> (i32, i32) {
    %c0_i32 = arith.constant 0 : i32
    %c0_i32_0 = arith.constant 0 : i32
    return %arg0, %c0_i32 : i32, i32
  }
  func.func @transform_3(%arg0: i32) -> (i32, i32) {
    %c0_i32 = arith.constant 0 : i32
    %c0_i32_0 = arith.constant 0 : i32
    %c0_i32_1 = arith.constant 0 : i32
    return %c0_i32, %c0_i32_0 : i32, i32
  }
  func.func @transform_4(%arg0: i32) -> (i32, i32) {
    %c0_i32 = arith.constant 0 : i32
    %c0_i32_0 = arith.constant 0 : i32
    %c0_i32_1 = arith.constant 0 : i32
    return %c0_i32, %c0_i32_0 : i32, i32
  }
  func.func @transform_5(%arg0: i32) -> (i32, i32) {
    %c0_i32 = arith.constant 0 : i32
    %c0_i32_0 = arith.constant 0 : i32
    %c0_i32_1 = arith.constant 0 : i32
    return %c0_i32, %c0_i32_0 : i32, i32
  }
  func.func @transform_6(%arg0: i32) -> (i32, i32) {
    %c0_i32 = arith.constant 0 : i32
    %c0_i32_0 = arith.constant 0 : i32
    return %arg0, %c0_i32 : i32, i32
  }
  func.func @transform_7(%arg0: i32) -> (i32, i32) {
    %c0_i32 = arith.constant 0 : i32
    %c0_i32_0 = arith.constant 0 : i32
    return %arg0, %c0_i32 : i32, i32
  }
}

</mosaic_0001>

<sc_bundles>
// kernel: kernel.6.cloned.1.call-start
scs
__scs_entry_jumppad:
0x0: {  	(pc) =	sbr.rel $0x88, $3  }
0x1: {  	(tag) =	ssettag $0x0;
	lr =	simm.s32 $0x1  }
0x2: {  	[smem:$0x3F9D] =	sst lr;
	_ =	strace $0xD0000000  }
0x3: {  	_ = 	snop  }
0x4: {  	_ = 	snop  }
0x5: {  	_ = 	snop  }
0x6: {  	_ = 	snop  }
0x7: {  	_ = 	snop  }
__scs_overlays_trampoline_lowered:
0x8: {  	[smem:$0x3FAC] =	sst s0  }
0x9: {  	[smem:$0x3FAD] =	sst s1  }
0xa: {  	[smem:$0x3FAE] =	sst s2  }
0xb: {  	[smem:$0x3FAF] =	sst s3  }
0xc: {  	[smem:$0x3FB0] =	sst s4  }
0xd: {  	[smem:$0x3FB1] =	sst s5  }
0xe: {  	[smem:$0x3FB2] =	sst s6  }
0xf: {  	[smem:$0x3FB3] =	sst s7  }
0x10: {  	[smem:$0x3FB4] =	sst s8  }
0x11: {  	[smem:$0x3FB5] =	sst s9;
	s0 =	simm.s32 @!p0 $0x0  }
0x12: {  	s1 =	sld [smem:$0x3F9B];
	s0 =	simm.s32 @p0 $0x1  }
0x13: {  	[smem:$0x3FB6] =	sst s0;
	s0 =	simm.s32 @!p1 $0x0  }
0x14: {  	s2 =	sld [smem:$0x3F9A];
	s0 =	simm.s32 @p1 $0x1  }
0x15: {  	[smem:$0x3FB7] =	sst s0;
	s0 =	simm.s32 @!p2 $0x0  }
0x16: {  	s3 =	sld [smem:$0x3FDB];
	s0 =	simm.s32 @p2 $0x1  }
0x17: {  	s4 =	simm.s32 $0x1BF5;
	[smem:$0x3FB9] =	sst s0  }
0x18: {  	s0 =	sld [smem:$0x3F9C];
	_ =	swait.ge [sflag:s4], $0x0  }
0x19: {  	s7 =	sld [smem:$0x3F9D]  }
0x1a: {  	s8 =	sadd.s32 $0xFFFFE003, lr  }
0x1b: {  	s9 =	sadd.s32 $0xFFFFFEF7, lr;
	s5 =	simm.s32 $0xFFFFFFFF;
	p2 =	slt.u32 s8, $0xFFFFF086  }
0x1c: {  	p1 =	slt.u32 s9, $0xF7A;
	s5 =	simm.s32 @!p2 $0x0  }
0x1d: {  	s5 =	simm.s32 @p1 $0x1;
	p0 =	seq.s32 s7, s2  }
0x1e: {  	s7 =	smul.u32 @!p0 $0xF7A, s2;
	p2 =	seq.s32 @!p0 s5, $0x0  }
0x1f: {  	s9 =	smul.u32 $0xF7A, s1;
	s8 =	simm.s32 @!p0 $0x1BF5;
	p2 =	por !p2, p0  }
0x20: {  	[sflag:s8] =	ssyncset.s32 @!p0 $0xFFFFF086;
	s6 =	sadd.s32 @!p0 s3, s7;
	s7 =	simm.s32 @!p0 $0x108  }
0x21: {  	s3 =	sadd.s32 s3, s9;
	s6 =	sadd.s32 @!p0 $0x88, s6;
	s7 =	simm.s32 @p2 $0x1082  }
0x22: {  	[simem:s7], [sflag:s8] =	dma.local @!p0 [hbm:s6], $0xF7A  }
0x23: {  	s9 =	sor.u32 $0xD0000000, s2;
	s6 =	simm.s32 $0x108;
	_ =	swait.ge @!p0 [sflag:s8], $0x0  }
0x24: {  	s3 =	sadd.s32 $0x88, s3;
	s6 =	simm.s32 @!p1 $0x1082;
	[sflag:s4] =	ssyncset.s32 $0xFFFFF086  }
0x25: {  	[simem:s6], [sflag:s4] =	dma.local [hbm:s3], $0xF7A  }
0x26: {  	[smem:$0x3F9D] =	sst s1;
	(tag) =	ssettag s2;
	_ =	strace s9  }
0x27: {  	s1 =	sld [smem:$0x3FAD]  }
0x28: {  	s2 =	sld [smem:$0x3FAE]  }
0x29: {  	s4 =	sld [smem:$0x3FB0]  }
0x2a: {  	p0 =	seq.s32 s5, $0x0;
	s5 =	sld [smem:$0x3FB1]  }
0x2b: {  	s6 =	sld [smem:$0x3FB2]  }
0x2c: {  	s7 =	sld [smem:$0x3FB3]  }
0x2d: {  	s3 =	simm.s32 $0x108;
	s8 =	sld [smem:$0x3FB4]  }
0x2e: {  	s3 =	simm.s32 @!p0 $0x1082;
	s9 =	sld [smem:$0x3FB5]  }
0x2f: {  	lr =	sadd.s32 s0, s3;
	s0 =	sld [smem:$0x3FAC]  }
0x30: {  	s3 =	sld [smem:$0x3FAF]  }
0x31: {  	[smem:$0x3FB8] =	sst s10  }
0x32: {  	s10 =	sld [smem:$0x3FB6];
	_ =	sdelay $0x3  }
0x33: {  	p0 =	seq.s32 s10, $0x1;
	s10 =	sld [smem:$0x3FB8];
	_ =	sdelay $0x3  }
0x34: {  	[smem:$0x3FB8] =	sst s10  }
0x35: {  	s10 =	sld [smem:$0x3FB7];
	_ =	sdelay $0x3  }
0x36: {  	p1 =	seq.s32 s10, $0x1;
	s10 =	sld [smem:$0x3FB8];
	_ =	sdelay $0x3  }
0x37: {  	[smem:$0x3FB8] =	sst s10  }
0x38: {  	s10 =	sld [smem:$0x3FB9]  }
0x39: {  	_ = 	snop;
	(pc) =	sbr.ind lr, $3  }
0x3a: {  	_ = 	snop  }
0x3b: {  	_ = 	snop  }
0x3c: {  	p2 =	seq.s32 s10, $0x1;
	s10 =	sld [smem:$0x3FB8]  }
0x3d: {  	_ =	shalt  }
0x3e: {  	_ =	shalt  }
0x3f: {  	_ =	shalt  }
0x40: {  	_ =	shalt  }
0x41: {  	_ =	shalt  }
0x42: {  	_ =	shalt  }
0x43: {  	_ =	shalt  }
0x44: {  	_ =	shalt  }
0x45: {  	_ =	shalt  }
0x46: {  	_ =	shalt  }
0x47: {  	_ =	shalt  }
0x48: {  	_ =	shalt  }
0x49: {  	_ =	shalt  }
0x4a: {  	_ =	shalt  }
0x4b: {  	_ =	shalt  }
0x4c: {  	_ =	shalt  }
0x4d: {  	_ =	shalt  }
0x4e: {  	_ =	shalt  }
0x4f: {  	_ =	shalt  }
0x50: {  	_ =	shalt  }
0x51: {  	_ =	shalt  }
0x52: {  	_ =	shalt  }
0x53: {  	_ =	shalt  }
0x54: {  	_ =	shalt  }
0x55: {  	_ =	shalt  }
0x56: {  	_ =	shalt  }
0x57: {  	_ =	shalt  }
0x58: {  	_ =	shalt  }
0x59: {  	_ =	shalt  }
0x5a: {  	_ =	shalt  }
0x5b: {  	_ =	shalt  }
0x5c: {  	_ =	shalt  }
0x5d: {  	_ =	shalt  }
0x5e: {  	_ =	shalt  }
0x5f: {  	_ =	shalt  }
0x60: {  	_ =	shalt  }
0x61: {  	_ =	shalt  }
0x62: {  	_ =	shalt  }
0x63: {  	_ =	shalt  }
0x64: {  	_ =	shalt  }
0x65: {  	_ =	shalt  }
0x66: {  	_ =	shalt  }
0x67: {  	_ =	shalt  }
0x68: {  	_ =	shalt  }
0x69: {  	_ =	shalt  }
0x6a: {  	_ =	shalt  }
0x6b: {  	_ =	shalt  }
0x6c: {  	_ =	shalt  }
0x6d: {  	_ =	shalt  }
0x6e: {  	_ =	shalt  }
0x6f: {  	_ =	shalt  }
0x70: {  	_ =	shalt  }
0x71: {  	_ =	shalt  }
0x72: {  	_ =	shalt  }
0x73: {  	_ =	shalt  }
0x74: {  	_ =	shalt  }
0x75: {  	_ =	shalt  }
0x76: {  	_ =	shalt  }
0x77: {  	_ =	shalt  }
0x78: {  	_ =	shalt  }
0x79: {  	_ =	shalt  }
0x7a: {  	_ =	shalt  }
0x7b: {  	_ =	shalt  }
0x7c: {  	_ =	shalt  }
0x7d: {  	_ =	shalt  }
0x7e: {  	_ =	shalt  }
0x7f: {  	_ =	shalt  }
0x80: {  	_ =	shalt  }
0x81: {  	_ =	shalt  }
0x82: {  	_ =	shalt  }
0x83: {  	_ =	shalt  }
0x84: {  	_ =	shalt  }
0x85: {  	_ =	shalt  }
0x86: {  	_ =	shalt  }
0x87: {  	_ =	shalt  }
.Lfunc_end0:
.L_simem_size_0:
called_computation_lowered:
.L_overlay_start_0:
0x88: {  	s2 =	sld [smem:$0x3FD9]  }
0x89: {  	s3 =	sld [smem:$0x3FFE];
	_ =	sdelay $0x1  }
0x8a: {  	s1 =	srdreg.scid  }
0x8b: {  	s0 =	sand.u32 $0x1, s1  }
0x8c: {  	s14 =	sshll.u32 s0, $0xA;
	s2 =	sadd.s32 s3, s2  }
0x8d: {  	s2 =	sadd.s32 s2, s14  }
0x8e: {  	[smem:$0x3FC4] =	sst s2  }
0x8f: {  	_ = 	snop  }
0x90: {  	s2 =	sld [smem:$0x3FD0];
	_ =	sdelay $0x2  }
0x91: {  	s15 =	simm.s32 $0xA;
	s4 =	simm.s32 $0x10  }
0x92: {  	[smem:s4], [sflag:s15] =	dma.local [hbm:s2], $0x1  }
0x93: {  	_ =	swait.eq [sflag:s15], $0x1  }
0x94: {  	[sflag:s15] =	ssyncset.done $0x0  }
0x95: {  	[sflag:s15] =	ssyncadd.s32 $0xFFFFFFFF  }
0x96: {  	s16 =	sld [smem:$0x11];
	(tm) =	ssettm $0x1  }
0x97: {  	s17 =	sld [smem:$0x3FFB];
	_ =	sdelay $0x3  }
0x98: {  	_ =	strace s17  }
0x99: {  	s3 =	sld [smem:$0x3FFC];
	_ =	sdelay $0x3  }
0x9a: {  	_ =	strace s3  }
0x9b: {  	s3 =	sld [smem:$0x3FFD];
	_ =	sdelay $0x3  }
0x9c: {  	_ =	strace s3  }
0x9d: {  	_ =	strace $0x8FFFFFFF  }
0x9e: {  	s18 =	sld [smem:$0x3FDB];
	_ =	sdelay $0x1  }
0x9f: {  	s19 =	simm.s32 $_scs_section_size  }
0xa0: {  	s5 =	simm.s32 $_size__tile_overlayer_lowered;
	s6 =	simm.s32 $_tile_overlayer_lowered  }
0xa1: {  	s22 =	simm.s32 $0x1BFF;
	s21 =	sshll.u32 s6, $0x1;
	s3 =	sadd.s32 s19, s18  }
0xa2: {  	s7 =	simm.s32 $0x0;
	s20 =	sshll.u32 s5, $0x1;
	s5 =	sadd.s32 s21, s3  }
0xa3: {  	[timem:s7], [sflag:s22] =	dma.local [hbm:s5], s20  }
0xa4: {  	_ =	swait.ge [sflag:s22], s20  }
0xa5: {  	s4 =	ssub.s32 $0x0, s20;
	[sflag:s22] =	ssyncset.done $0x0  }
0xa6: {  	[sflag:s22] =	ssyncadd.s32 s4;
	_ =	sdelay $0x1  }
0xa7: {  	s23 =	simm.s32 $0x1B8B  }
0xa8: {  	_ =	swait.ge [sflag:s23], $0x1  }
0xa9: {  	[sflag:s23] =	ssyncset.done $0x0  }
0xaa: {  	s25 =	simm.s32 $0x1B8E;
	s24 =	sld [smem:$0x3FFE];
	[sflag:s23] =	ssyncadd.s32 $0xFFFFFFFF  }
0xab: {  	s26 =	simm.s32 $execute0_lowered;
	[smem:$0x3FD2] =	sst s25  }
0xac: {  	s5 =	sshll.u32 s26, $0x1;
	_ =	strace $0x80000046;
	[dreg:$0x1] =	wrdreg $0xFFFFFFFF  }
0xad: {  	s28 =	simm.s32 $_size_execute0_lowered;
	s3 =	sadd.s32 s3, s5;
	[dreg:$0x0] =	wrdreg $0x0  }
0xae: {  	s5 =	sshll.u32 s28, $0x1;
	[dreg:$0x2] =	wrdreg s3  }
0xaf: {  	[dreg:$0x3] =	wrdreg s5  }
0xb0: {  	[dreg:$0x4] =	wrdreg $0xC0  }
0xb1: {  	_ =	task [dreg:s7], $0x5FFFF  }
0xb2: {  	[dreg:$0x1] =	wrdreg $0xFFFFFFFF  }
0xb3: {  	[dreg:$0x0] =	wrdreg $0x60  }
0xb4: {  	[dreg:$0x2] =	wrdreg s24  }
0xb5: {  	[dreg:$0x3] =	wrdreg s16  }
0xb6: {  	[dreg:$0x4] =	wrdreg $0x0  }
0xb7: {  	[dreg:$0x5] =	wrdreg $0x9  }
0xb8: {  	_ =	task.clear_ibuf [dreg:s7], $0x6FFFF;
	_ =	strace $0x90000046  }
0xb9: {  	s29 =	simm.s32 $0x9;
	_ =	strace $0x80000048  }
0xba: {  	_ =	swait.ge [sflag:s29], $0x1  }
0xbb: {  	[sflag:s29] =	ssyncadd.s32 $0xFFFFFFFF  }
0xbc: {  	_ =	strace $0x90000048  }
0xbd: {  	_ =	sfence  }
0xbe: {  	s30 =	sld [smem:$0x0];
	_ =	sdelay $0x2  }
0xbf: {  	s31 =	sshll.u32 s1, $0xD;
	s1 =	sshrl.u32 s1, $0x2  }
0xc0: {  	s3 =	sand.u32 $0x4000, s31;
	s1 =	sadd.s32 s1, s30  }
0xc1: {  	s0 =	sor.u32 s3, s0;
	s1 =	sshll.u32 s1, $0x11  }
0xc2: {  	s0 =	sor.u32 s1, s0  }
0xc3: {  	s0 =	sadd.s32 $0x8F2B, s0  }
0xc4: {  	[sflag:s0] =	ssyncadd.remote.s32 $0x1  }
0xc5: {  	_ =	sfence.sel $0xFFFF  }
0xc6: {  	[dreg:$0x0] =	wrdreg $0xFFFFFFFF;
	(pc) =	sbr.abs _section_cstart, $3  }
0xc7: {  	[dreg:$0x1] =	wrdreg $0xFFFFFFFF  }
0xc8: {  	_ =	task.clear_ibuf [dreg:s7], $0x2FFFF;
	_ =	strace $0x9FFFFFFF  }
0xc9: {  	(tm) =	ssettm $0x7FFFFFFF  }
tec
execute0_lowered:
.L_overlay_start_1:
0x0: {  	(tag) =	ssettag $0x1  }
0x1: {  	s0 =	rddreg [dreg:$0x0]  }
0x2: {  	s2 =	rddreg [dreg:$0x1]  }
0x3: {  	s1 =	rddreg [dreg:$0x2];
	s3 =	simm.s32 $0x0  }
0x4: {  	s4 =	srdreg.scid;
	s13 =	stileid.u32;
	s22 =	simm.s32 $0x3080  }
0x5: {  	s23 =	simm.s32 $0x2;
	s24 =	simm.s32 $0x1880;
	s25 =	simm.s32 $0x800  }
0x6: {  	s28 =	simm.s32 $0x2080;
	s29 =	simm.s32 $0x1;
	s30 =	simm.s32 $0x0  }
0x7: {  	[smem:$0x7FF] =	sst s3;
	s14 =	sand.u32 $0x1, s4;
	s16 =	smul.u32 $0x1880, s13  }
0x8: {  	s0 =	sadd.s32 $0x1800, s0;
	s6 =	sshll.u32 s13, $0x1;
	s20 =	smul.u32 $0x30D40, s13  }
0x9: {  	_ =	strace $0x80000047;
	s4 =	ssub.s32 $0x2, s14;
	s17 =	smul.u32 $0x18800, s14  }
0xa: {  	s7 =	sor.u32 s14, s6;
	s21 =	smul.u32 $0x186A0, s14;
	s5 =	sshrl.u32 s4, $0x1  }
0xb: {  	s11 =	smul.u32 $0x186A0, s7;
	s18 =	ssub.s32 s4, s5;
	s4 =	sadd.s32 s16, s1  }
0xc: {  	s17 =	sadd.s32 s16, s17;
	s20 =	sadd.s32 s21, s20;
	s5 =	sadd.s32 $0x310, s4  }
0xd: {  	s6 =	sadd.s32 $0x620, s4;
	s7 =	sadd.s32 $0x930, s4;
	s8 =	sadd.s32 $0xC40, s4  }
0xe: {  	s9 =	sadd.s32 $0xF50, s4;
	s10 =	sadd.s32 $0x1260, s4;
	s12 =	sshrl.u32 s11, $0x3  }
0xf: {  	s11 =	sadd.s32 $0x1570, s4;
	s17 =	sshrl.u32 s17, $0x3;
	s26 =	sadd.s32 $0x30E400, s20  }
0x10: {  	s20 =	sadd.s32 $0x30DC00, s20;
	s18 =	smax.u32 s18, $0x1;
	s19 =	sadd.s32 s0, s12  }
0x11: {  	s17 =	sadd.s32 s2, s17;
	s2 =	sshrl.u32 s26, $0x3;
	s31 =	sshrl.u32 s20, $0x3  }
0x12: {  	s26 =	simm.s32 $0x2880;
	s12 =	sadd.s32 $0x61A80, s19;
	s13 =	sadd.s32 $0x64A80, s19  }
0x13: {  	s14 =	sadd.s32 $0x64B00, s19;
	s15 =	sadd.s32 $0x64B40, s19;
	s16 =	sadd.s32 $0x64B50, s19  }
0x14: {  	v0 =	vimm.f32 $0.0e+00;
	v1 =	vimm.f32 $1.000000000e+00;
	s19 =	sadd.s32 $0x64980, s19;
	s20 =	sadd.s32 s2, s0;
	s21 =	sadd.s32 s31, s0  }
.LBB2_1:
0x15: {  	[tilespmem:$0x3080] =	vst v0  }
0x16: {  	[tilespmem:$0x3090] =	vst v0  }
0x17: {  	[tilespmem:$0x30A0] =	vst v0  }
0x18: {  	[tilespmem:$0x30B0] =	vst v0  }
0x19: {  	[tilespmem:$0x30C0] =	vst v0  }
0x1a: {  	[tilespmem:$0x30D0] =	vst v0  }
0x1b: {  	[tilespmem:$0x30E0] =	vst v0  }
0x1c: {  	[tilespmem:$0x30F0] =	vst v0  }
0x1d: {  	[tilespmem:$0x3100] =	vst v0  }
0x1e: {  	[tilespmem:$0x3110] =	vst v0  }
0x1f: {  	[tilespmem:$0x3120] =	vst v0  }
0x20: {  	[tilespmem:$0x3130] =	vst v0  }
0x21: {  	[tilespmem:$0x3140] =	vst v0  }
0x22: {  	[tilespmem:$0x3150] =	vst v0  }
0x23: {  	[tilespmem:$0x3160] =	vst v0  }
0x24: {  	[tilespmem:$0x3170] =	vst v0  }
0x25: {  	[tilespmem:$0x3180] =	vst v0  }
0x26: {  	[tilespmem:$0x3190] =	vst v0  }
0x27: {  	[tilespmem:$0x31A0] =	vst v0  }
0x28: {  	[tilespmem:$0x31B0] =	vst v0  }
0x29: {  	[tilespmem:$0x31C0] =	vst v0  }
0x2a: {  	[tilespmem:$0x31D0] =	vst v0  }
0x2b: {  	[tilespmem:$0x31E0] =	vst v0  }
0x2c: {  	[tilespmem:$0x31F0] =	vst v0  }
0x2d: {  	[tilespmem:$0x3200] =	vst v0  }
0x2e: {  	[tilespmem:$0x3210] =	vst v0  }
0x2f: {  	[tilespmem:$0x3220] =	vst v0  }
0x30: {  	[tilespmem:$0x3230] =	vst v0  }
0x31: {  	[tilespmem:$0x3240] =	vst v0  }
0x32: {  	[tilespmem:$0x3250] =	vst v0  }
0x33: {  	[tilespmem:$0x3260] =	vst v0  }
0x34: {  	[tilespmem:$0x3270] =	vst v0  }
0x35: {  	[tilespmem:$0x3280] =	vst v0  }
0x36: {  	[tilespmem:$0x3290] =	vst v0  }
0x37: {  	[tilespmem:$0x32A0] =	vst v0  }
0x38: {  	[tilespmem:$0x32B0] =	vst v0  }
0x39: {  	[tilespmem:$0x32C0] =	vst v0  }
0x3a: {  	[tilespmem:$0x32D0] =	vst v0  }
0x3b: {  	[tilespmem:$0x32E0] =	vst v0  }
0x3c: {  	[tilespmem:$0x32F0] =	vst v0  }
0x3d: {  	[tilespmem:$0x3300] =	vst v0  }
0x3e: {  	[tilespmem:$0x3310] =	vst v0  }
0x3f: {  	[tilespmem:$0x3320] =	vst v0  }
0x40: {  	[tilespmem:$0x3330] =	vst v0  }
0x41: {  	[tilespmem:$0x3340] =	vst v0  }
0x42: {  	[tilespmem:$0x3350] =	vst v0  }
0x43: {  	[tilespmem:$0x3360] =	vst v0  }
0x44: {  	[tilespmem:$0x3370] =	vst v0  }
0x45: {  	[tilespmem:$0x3380] =	vst v0;
	s31 =	simm.s32 $0x40;
	s0 =	simm.s32 $0x0  }
.LBB2_2:
0x46: {  	p0 =	sne.s32 s31, $0x1FC0;
	[tilespmem:s0+$0x2880] =	vst v1;
	s0 =	smov.u32 s31;
	s31 =	sadd.s32 $0x40, s31  }
.Ltmp0:
0x47: {  	(pc) =	sbr.rel @p0 .LBB2_2-.Ltmp0, $2  }
0x48: {  	_ =	sdelay $0x2  }
0x49: {  	s0 =	sshra.s32 s0, $0x2  }
0x4a: {  	[tilespmem:s0+$0x2880] =	vst v1  }
0x4b: {  	[spmem:s4] =	stream.linear.scatter [tilespmem:s22], [sflag:$0x2], $0x310, $0x38;
	[tilespmem:$0x3390] =	vst v63  }
0x4c: {  	_ =	swait.ge [sflag:s23], $0x310  }
0x4d: {  	[sflag:s23] =	ssyncset.done $0x0  }
0x4e: {  	[sflag:s23] =	ssyncadd.s32 $0xFFFFFCF0  }
0x4f: {  	[spmem:s5] =	stream.linear.scatter [tilespmem:s22], [sflag:$0x2], $0x310, $0x38;
	[tilespmem:$0x3390] =	vst v63  }
0x50: {  	_ =	swait.ge [sflag:s23], $0x310  }
0x51: {  	[sflag:s23] =	ssyncset.done $0x0  }
0x52: {  	[sflag:s23] =	ssyncadd.s32 $0xFFFFFCF0  }
0x53: {  	[spmem:s6] =	stream.linear.scatter [tilespmem:s22], [sflag:$0x2], $0x310, $0x38;
	[tilespmem:$0x3390] =	vst v63  }
0x54: {  	_ =	swait.ge [sflag:s23], $0x310  }
0x55: {  	[sflag:s23] =	ssyncset.done $0x0  }
0x56: {  	[sflag:s23] =	ssyncadd.s32 $0xFFFFFCF0  }
0x57: {  	[spmem:s7] =	stream.linear.scatter [tilespmem:s22], [sflag:$0x2], $0x310, $0x38;
	[tilespmem:$0x3390] =	vst v63  }
0x58: {  	_ =	swait.ge [sflag:s23], $0x310  }
0x59: {  	[sflag:s23] =	ssyncset.done $0x0  }
0x5a: {  	[sflag:s23] =	ssyncadd.s32 $0xFFFFFCF0  }
0x5b: {  	[spmem:s8] =	stream.linear.scatter [tilespmem:s22], [sflag:$0x2], $0x310, $0x38;
	[tilespmem:$0x3390] =	vst v63  }
0x5c: {  	_ =	swait.ge [sflag:s23], $0x310  }
0x5d: {  	[sflag:s23] =	ssyncset.done $0x0  }
0x5e: {  	[sflag:s23] =	ssyncadd.s32 $0xFFFFFCF0  }
0x5f: {  	[spmem:s9] =	stream.linear.scatter [tilespmem:s22], [sflag:$0x2], $0x310, $0x38;
	[tilespmem:$0x3390] =	vst v63  }
0x60: {  	_ =	swait.ge [sflag:s23], $0x310  }
0x61: {  	[sflag:s23] =	ssyncset.done $0x0  }
0x62: {  	[sflag:s23] =	ssyncadd.s32 $0xFFFFFCF0  }
0x63: {  	[spmem:s10] =	stream.linear.scatter [tilespmem:s22], [sflag:$0x2], $0x310, $0x38;
	[tilespmem:$0x3390] =	vst v63  }
0x64: {  	_ =	swait.ge [sflag:s23], $0x310  }
0x65: {  	[sflag:s23] =	ssyncset.done $0x0  }
0x66: {  	[sflag:s23] =	ssyncadd.s32 $0xFFFFFCF0  }
0x67: {  	[spmem:s11] =	stream.linear.scatter [tilespmem:s22], [sflag:$0x2], $0x310, $0x38;
	[tilespmem:$0x3390] =	vst v63  }
0x68: {  	_ =	swait.ge [sflag:s23], $0x310  }
0x69: {  	[sflag:s23] =	ssyncset.done $0x0  }
0x6a: {  	[sflag:s23] =	ssyncadd.s32 $0xFFFFFCF0  }
0x6b: {  	s2 =	simm.s32 $0x0;
	[bflag:$0x0] =	sbarrier.arrive $0xFFFF  }
0x6c: {  	[tilespmem:s24], [sflag:$0x2] =	stream.linear.gather [hbm4b:s12+s2], $0x800, $0x38;
	[tilespmem:$0x3390] =	vst v63  }
0x6d: {  	_ =	swait.ge [sflag:s23], $0x800  }
0x6e: {  	[sflag:s23] =	ssyncset.done $0x0  }
0x6f: {  	[sflag:s23] =	ssyncadd.s32 $0xFFFFF800  }
0x70: {  	[spmem:s1] =	stream.indirect.scatter.add.f32 [tilespmem:s26], [sflag:$0x1], $0x1, s24, s25, $0xb8;
	[tilespmem:$0x3390] =	vst v63  }
0x71: {  	s2 =	sadd.s32 $0x0, s21  }
0x72: {  	[tilespmem:s28], [sflag:$0x2] =	stream.linear.gather [hbm4b:s2+s3], $0x800, $0x38;
	[tilespmem:$0x3390] =	vst v63  }
0x73: {  	_ =	swait.ge [sflag:s23], $0x800  }
0x74: {  	[sflag:s23] =	ssyncset.done $0x0  }
0x75: {  	[sflag:s23] =	ssyncadd.s32 $0xFFFFF800  }
0x76: {  	_ =	swait.ge [sflag:s29], $0x800  }
0x77: {  	[sflag:s29] =	ssyncset.done $0x0  }
0x78: {  	[sflag:s29] =	ssyncadd.s32 $0xFFFFF800  }
0x79: {  	[spmem:s1] =	stream.indirect.scatter.add.f32 [tilespmem:s26], [sflag:$0x1], $0x1, s28, s25, $0xb8;
	[tilespmem:$0x3390] =	vst v63  }
0x7a: {  	s2 =	sadd.s32 $0x0, s20  }
0x7b: {  	[tilespmem:s24], [sflag:$0x2] =	stream.linear.gather [hbm4b:s2+s3], $0x800, $0x38;
	[tilespmem:$0x3390] =	vst v63  }
0x7c: {  	_ =	swait.ge [sflag:s23], $0x800  }
0x7d: {  	[sflag:s23] =	ssyncset.done $0x0  }
0x7e: {  	[sflag:s23] =	ssyncadd.s32 $0xFFFFF800  }
0x7f: {  	_ =	swait.ge [sflag:s29], $0x800  }
0x80: {  	s31 =	simm.s32 $0x200;
	[sflag:s29] =	ssyncset.done $0x0  }
.LBB2_4:
0x81: {  	p0 =	sne.s32 s31, $0x2C00  }
0x82: {  	[sflag:s29] =	ssyncadd.s32 $0xFFFFF800;
	s0 =	smov.u32 s31;
	s31 =	sadd.s32 $0x200, s31  }
0x83: {  	[spmem:s1] =	stream.indirect.scatter.add.f32 [tilespmem:s26], [sflag:$0x1], $0x1, s24, s25, $0xb8;
	[tilespmem:$0x3390] =	vst v63  }
0x84: {  	s2 =	sadd.s32 s0, s21  }
0x85: {  	[tilespmem:s28], [sflag:$0x2] =	stream.linear.gather [hbm4b:s2+s3], $0x800, $0x38;
	[tilespmem:$0x3390] =	vst v63  }
0x86: {  	_ =	swait.ge [sflag:s23], $0x800  }
0x87: {  	[sflag:s23] =	ssyncset.done $0x0  }
0x88: {  	[sflag:s23] =	ssyncadd.s32 $0xFFFFF800  }
0x89: {  	_ =	swait.ge [sflag:s29], $0x800  }
0x8a: {  	[sflag:s29] =	ssyncset.done $0x0  }
0x8b: {  	[sflag:s29] =	ssyncadd.s32 $0xFFFFF800  }
0x8c: {  	[spmem:s1] =	stream.indirect.scatter.add.f32 [tilespmem:s26], [sflag:$0x1], $0x1, s28, s25, $0xb8;
	[tilespmem:$0x3390] =	vst v63  }
0x8d: {  	s0 =	sadd.s32 s0, s20  }
0x8e: {  	[tilespmem:s24], [sflag:$0x2] =	stream.linear.gather [hbm4b:s0+s3], $0x800, $0x38;
	[tilespmem:$0x3390] =	vst v63  }
.Ltmp1:
0x8f: {  	_ =	swait.ge [sflag:s23], $0x800;
	(pc) =	sbr.rel @p0 .LBB2_4-.Ltmp1, $4  }
0x90: {  	[sflag:s23] =	ssyncset.done $0x0  }
0x91: {  	[sflag:s23] =	ssyncadd.s32 $0xFFFFF800  }
0x92: {  	_ =	swait.ge [sflag:s29], $0x800  }
0x93: {  	[sflag:s29] =	ssyncset.done $0x0  }
0x94: {  	[sflag:s29] =	ssyncadd.s32 $0xFFFFF800  }
0x95: {  	[spmem:s1] =	stream.indirect.scatter.add.f32 [tilespmem:s26], [sflag:$0x1], $0x1, s24, s25, $0xb8;
	[tilespmem:$0x3390] =	vst v63  }
0x96: {  	_ = 	snop  }
0x97: {  	[tilespmem:s28], [sflag:$0x2] =	stream.linear.gather [hbm4b:s19+s3], $0x800, $0x38;
	[tilespmem:$0x3390] =	vst v63  }
0x98: {  	_ =	swait.ge [sflag:s23], $0x800  }
0x99: {  	[sflag:s23] =	ssyncset.done $0x0  }
0x9a: {  	[sflag:s23] =	ssyncadd.s32 $0xFFFFF800  }
0x9b: {  	_ =	swait.ge [sflag:s29], $0x800  }
0x9c: {  	[sflag:s29] =	ssyncset.done $0x0  }
0x9d: {  	[sflag:s29] =	ssyncadd.s32 $0xFFFFF800  }
0x9e: {  	[spmem:s1] =	stream.indirect.scatter.add.f32 [tilespmem:s26], [sflag:$0x1], $0x1, s28, s25, $0xb8;
	[tilespmem:$0x3390] =	vst v63  }
0x9f: {  	_ =	swait.ge [sflag:s29], $0x800  }
0xa0: {  	[sflag:s29] =	ssyncset.done $0x0  }
0xa1: {  	[sflag:s29] =	ssyncadd.s32 $0xFFFFF800  }
0xa2: {  	[tilespmem:s24], [sflag:$0x2] =	stream.linear.gather [hbm4b:s13+s3], $0x400, $0x38;
	[tilespmem:$0x3390] =	vst v63  }
0xa3: {  	_ =	swait.ge [sflag:s23], $0x400  }
0xa4: {  	[sflag:s23] =	ssyncset.done $0x0  }
0xa5: {  	s0 =	simm.s32 $0x400;
	[sflag:s23] =	ssyncadd.s32 $0xFFFFFC00  }
0xa6: {  	[spmem:s1] =	stream.indirect.scatter.add.f32 [tilespmem:s26], [sflag:$0x2], $0x1, s24, s0, $0xb8;
	[tilespmem:$0x3390] =	vst v63  }
0xa7: {  	_ =	swait.ge [sflag:s23], $0x400  }
0xa8: {  	[sflag:s23] =	ssyncset.done $0x0  }
0xa9: {  	[sflag:s23] =	ssyncadd.s32 $0xFFFFFC00  }
0xaa: {  	[tilespmem:s24], [sflag:$0x2] =	stream.linear.gather [hbm4b:s14+s3], $0x200, $0x38;
	[tilespmem:$0x3390] =	vst v63  }
0xab: {  	_ =	swait.ge [sflag:s23], $0x200  }
0xac: {  	[sflag:s23] =	ssyncset.done $0x0  }
0xad: {  	s2 =	simm.s32 $0x200;
	[sflag:s23] =	ssyncadd.s32 $0xFFFFFE00  }
0xae: {  	[spmem:s1] =	stream.indirect.scatter.add.f32 [tilespmem:s26], [sflag:$0x2], $0x1, s24, s2, $0xb8;
	[tilespmem:$0x3390] =	vst v63  }
0xaf: {  	_ =	swait.ge [sflag:s23], $0x200  }
0xb0: {  	[sflag:s23] =	ssyncset.done $0x0  }
0xb1: {  	[sflag:s23] =	ssyncadd.s32 $0xFFFFFE00  }
0xb2: {  	[tilespmem:s24], [sflag:$0x2] =	stream.linear.gather [hbm4b:s15+s3], $0x80, $0x38;
	[tilespmem:$0x3390] =	vst v63  }
0xb3: {  	_ =	swait.ge [sflag:s23], $0x80  }
0xb4: {  	[sflag:s23] =	ssyncset.done $0x0  }
0xb5: {  	s31 =	simm.s32 $0x80;
	[sflag:s23] =	ssyncadd.s32 $0xFFFFFF80  }
0xb6: {  	[spmem:s1] =	stream.indirect.scatter.add.f32 [tilespmem:s26], [sflag:$0x2], $0x1, s24, s31, $0xb8;
	[tilespmem:$0x3390] =	vst v63  }
0xb7: {  	_ =	swait.ge [sflag:s23], $0x80  }
0xb8: {  	[sflag:s23] =	ssyncset.done $0x0  }
0xb9: {  	[sflag:s23] =	ssyncadd.s32 $0xFFFFFF80  }
0xba: {  	[tilespmem:s24], [sflag:$0x2] =	stream.linear.gather [hbm4b:s16+s3], $0x20, $0x38;
	[tilespmem:$0x3390] =	vst v63  }
0xbb: {  	_ =	swait.ge [sflag:s23], $0x20  }
0xbc: {  	[sflag:s23] =	ssyncset.done $0x0  }
0xbd: {  	s2 =	simm.s32 $0x20;
	[sflag:s23] =	ssyncadd.s32 $0xFFFFFFE0  }
0xbe: {  	[spmem:s1] =	stream.indirect.scatter.add.f32 [tilespmem:s26], [sflag:$0x2], $0x1, s24, s2, $0xb8;
	[tilespmem:$0x3390] =	vst v63  }
0xbf: {  	s31 =	stileid.u32;
	_ =	swait.ge [sflag:s23], $0x20  }
0xc0: {  	s30 =	sadd.s32 $0x1, s30;
	s0 =	sshll.u32 s31, $0x6;
	[sflag:s23] =	ssyncset.done $0x0  }
0xc1: {  	p0 =	sne.s32 s30, s18;
	s0 =	sor.u32 $0x1C02, s0;
	[sflag:s23] =	ssyncadd.s32 $0xFFFFFFE0  }
.Ltmp2:
0xc2: {  	s2 =	sshrl.u32 s4, $0x3;
	[bflag:$0x0] =	sbarrier.arrive $0xFFFF;
	(pc) =	sbr.rel @p0 .LBB2_1-.Ltmp2, $4  }
0xc3: {  	[hbm:s17], [sflag:s0] =	dma.local [spmem:s2], $0x310  }
0xc4: {  	_ =	swait.ge [sflag:s23], $0x310  }
0xc5: {  	[sflag:s23] =	ssyncset.done $0x0  }
0xc6: {  	[sflag:s23] =	ssyncadd.s32 $0xFFFFFCF0  }
0xc7: {  	_ =	sfence.sel $0x180000  }
0xc8: {  	[bflag:$0x0] =	sbarrier.arrive $0xFFFF  }
0xc9: {  	_ =	strace $0x90000047  }
0xca: {  	s0 =	stileid.u32;
	[bflag:$0x2] =	sbarrier.arrive $0xFFFF  }
0xcb: {  	p0 =	sne.s32 s0, $0x0;
	s0 =	rddreg [dreg:$0x3]  }
0xcc: {  	s0 =	sadd.s32 @!p0 $0x100000, s0  }
0xcd: {  	[sflag:s0] =	ssyncadd.tile.s32 @!p0 $0x1;
	_ =	shalt  }
.Lfunc_end2:
_tile_overlayer_lowered:
.L_overlay_start_2:
0xce: {  	(tag) =	ssettag $0x2  }
0xcf: {  	s0 =	rddreg [dreg:$0x0];
	s2 =	stileid.u32  }
0xd0: {  	s1 =	rddreg [dreg:$0x1];
	p0 =	sne.s32 s2, $0x0  }
0xd1: {  	s3 =	rddreg [dreg:$0x2];
	[bflag:$0x3] =	sbarrier.arrive $0xFFFF;
	s2 =	simm.s32 @!p0 $0x1C02  }
0xd2: {  	[timem:s3], [sflag:s2] =	dma.local @!p0 [hbm:s0], s1  }
0xd3: {  	s0 =	simm.s32 @!p0 $0x2  }
0xd4: {  	_ =	swait.ge @!p0 [sflag:s0], s1  }
0xd5: {  	s1 =	ssub.s32 @!p0 $0x0, s1;
	[sflag:s0] =	ssyncset.done @!p0 $0x0  }
0xd6: {  	[sflag:s0] =	ssyncadd.s32 @!p0 s1  }
0xd7: {  	[bflag:$0x3] =	sbarrier.arrive $0xFFFF  }
0xd8: {  	_ =	shalt  }

// kernel: kernel.9.cloned.1.call-start
scs
__scs_entry_jumppad:
0x0: {  	(pc) =	sbr.rel $0x88, $3  }
0x1: {  	(tag) =	ssettag $0x0;
	lr =	simm.s32 $0x1  }
0x2: {  	[smem:$0x3F9D] =	sst lr;
	_ =	strace $0xD0000000  }
0x3: {  	_ = 	snop  }
0x4: {  	_ = 	snop  }
0x5: {  	_ = 	snop  }
0x6: {  	_ = 	snop  }
0x7: {  	_ = 	snop  }
__scs_overlays_trampoline_lowered:
0x8: {  	[smem:$0x3FAC] =	sst s0  }
0x9: {  	[smem:$0x3FAD] =	sst s1  }
0xa: {  	[smem:$0x3FAE] =	sst s2  }
0xb: {  	[smem:$0x3FAF] =	sst s3  }
0xc: {  	[smem:$0x3FB0] =	sst s4  }
0xd: {  	[smem:$0x3FB1] =	sst s5  }
0xe: {  	[smem:$0x3FB2] =	sst s6  }
0xf: {  	[smem:$0x3FB3] =	sst s7  }
0x10: {  	[smem:$0x3FB4] =	sst s8  }
0x11: {  	[smem:$0x3FB5] =	sst s9;
	s0 =	simm.s32 @!p0 $0x0  }
0x12: {  	s1 =	sld [smem:$0x3F9B];
	s0 =	simm.s32 @p0 $0x1  }
0x13: {  	[smem:$0x3FB6] =	sst s0;
	s0 =	simm.s32 @!p1 $0x0  }
0x14: {  	s2 =	sld [smem:$0x3F9A];
	s0 =	simm.s32 @p1 $0x1  }
0x15: {  	[smem:$0x3FB7] =	sst s0;
	s0 =	simm.s32 @!p2 $0x0  }
0x16: {  	s3 =	sld [smem:$0x3FDB];
	s0 =	simm.s32 @p2 $0x1  }
0x17: {  	s4 =	simm.s32 $0x1BF5;
	[smem:$0x3FB9] =	sst s0  }
0x18: {  	s0 =	sld [smem:$0x3F9C];
	_ =	swait.ge [sflag:s4], $0x0  }
0x19: {  	s7 =	sld [smem:$0x3F9D]  }
0x1a: {  	s8 =	sadd.s32 $0xFFFFE003, lr  }
0x1b: {  	s9 =	sadd.s32 $0xFFFFFEF7, lr;
	s5 =	simm.s32 $0xFFFFFFFF;
	p2 =	slt.u32 s8, $0xFFFFF086  }
0x1c: {  	p1 =	slt.u32 s9, $0xF7A;
	s5 =	simm.s32 @!p2 $0x0  }
0x1d: {  	s5 =	simm.s32 @p1 $0x1;
	p0 =	seq.s32 s7, s2  }
0x1e: {  	s7 =	smul.u32 @!p0 $0xF7A, s2;
	p2 =	seq.s32 @!p0 s5, $0x0  }
0x1f: {  	s9 =	smul.u32 $0xF7A, s1;
	s8 =	simm.s32 @!p0 $0x1BF5;
	p2 =	por !p2, p0  }
0x20: {  	[sflag:s8] =	ssyncset.s32 @!p0 $0xFFFFF086;
	s6 =	sadd.s32 @!p0 s3, s7;
	s7 =	simm.s32 @!p0 $0x108  }
0x21: {  	s3 =	sadd.s32 s3, s9;
	s6 =	sadd.s32 @!p0 $0x88, s6;
	s7 =	simm.s32 @p2 $0x1082  }
0x22: {  	[simem:s7], [sflag:s8] =	dma.local @!p0 [hbm:s6], $0xF7A  }
0x23: {  	s9 =	sor.u32 $0xD0000000, s2;
	s6 =	simm.s32 $0x108;
	_ =	swait.ge @!p0 [sflag:s8], $0x0  }
0x24: {  	s3 =	sadd.s32 $0x88, s3;
	s6 =	simm.s32 @!p1 $0x1082;
	[sflag:s4] =	ssyncset.s32 $0xFFFFF086  }
0x25: {  	[simem:s6], [sflag:s4] =	dma.local [hbm:s3], $0xF7A  }
0x26: {  	[smem:$0x3F9D] =	sst s1;
	(tag) =	ssettag s2;
	_ =	strace s9  }
0x27: {  	s1 =	sld [smem:$0x3FAD]  }
0x28: {  	s2 =	sld [smem:$0x3FAE]  }
0x29: {  	s4 =	sld [smem:$0x3FB0]  }
0x2a: {  	p0 =	seq.s32 s5, $0x0;
	s5 =	sld [smem:$0x3FB1]  }
0x2b: {  	s6 =	sld [smem:$0x3FB2]  }
0x2c: {  	s7 =	sld [smem:$0x3FB3]  }
0x2d: {  	s3 =	simm.s32 $0x108;
	s8 =	sld [smem:$0x3FB4]  }
0x2e: {  	s3 =	simm.s32 @!p0 $0x1082;
	s9 =	sld [smem:$0x3FB5]  }
0x2f: {  	lr =	sadd.s32 s0, s3;
	s0 =	sld [smem:$0x3FAC]  }
0x30: {  	s3 =	sld [smem:$0x3FAF]  }
0x31: {  	[smem:$0x3FB8] =	sst s10  }
0x32: {  	s10 =	sld [smem:$0x3FB6];
	_ =	sdelay $0x3  }
0x33: {  	p0 =	seq.s32 s10, $0x1;
	s10 =	sld [smem:$0x3FB8];
	_ =	sdelay $0x3  }
0x34: {  	[smem:$0x3FB8] =	sst s10  }
0x35: {  	s10 =	sld [smem:$0x3FB7];
	_ =	sdelay $0x3  }
0x36: {  	p1 =	seq.s32 s10, $0x1;
	s10 =	sld [smem:$0x3FB8];
	_ =	sdelay $0x3  }
0x37: {  	[smem:$0x3FB8] =	sst s10  }
0x38: {  	s10 =	sld [smem:$0x3FB9]  }
0x39: {  	_ = 	snop;
	(pc) =	sbr.ind lr, $3  }
0x3a: {  	_ = 	snop  }
0x3b: {  	_ = 	snop  }
0x3c: {  	p2 =	seq.s32 s10, $0x1;
	s10 =	sld [smem:$0x3FB8]  }
0x3d: {  	_ =	shalt  }
0x3e: {  	_ =	shalt  }
0x3f: {  	_ =	shalt  }
0x40: {  	_ =	shalt  }
0x41: {  	_ =	shalt  }
0x42: {  	_ =	shalt  }
0x43: {  	_ =	shalt  }
0x44: {  	_ =	shalt  }
0x45: {  	_ =	shalt  }
0x46: {  	_ =	shalt  }
0x47: {  	_ =	shalt  }
0x48: {  	_ =	shalt  }
0x49: {  	_ =	shalt  }
0x4a: {  	_ =	shalt  }
0x4b: {  	_ =	shalt  }
0x4c: {  	_ =	shalt  }
0x4d: {  	_ =	shalt  }
0x4e: {  	_ =	shalt  }
0x4f: {  	_ =	shalt  }
0x50: {  	_ =	shalt  }
0x51: {  	_ =	shalt  }
0x52: {  	_ =	shalt  }
0x53: {  	_ =	shalt  }
0x54: {  	_ =	shalt  }
0x55: {  	_ =	shalt  }
0x56: {  	_ =	shalt  }
0x57: {  	_ =	shalt  }
0x58: {  	_ =	shalt  }
0x59: {  	_ =	shalt  }
0x5a: {  	_ =	shalt  }
0x5b: {  	_ =	shalt  }
0x5c: {  	_ =	shalt  }
0x5d: {  	_ =	shalt  }
0x5e: {  	_ =	shalt  }
0x5f: {  	_ =	shalt  }
0x60: {  	_ =	shalt  }
0x61: {  	_ =	shalt  }
0x62: {  	_ =	shalt  }
0x63: {  	_ =	shalt  }
0x64: {  	_ =	shalt  }
0x65: {  	_ =	shalt  }
0x66: {  	_ =	shalt  }
0x67: {  	_ =	shalt  }
0x68: {  	_ =	shalt  }
0x69: {  	_ =	shalt  }
0x6a: {  	_ =	shalt  }
0x6b: {  	_ =	shalt  }
0x6c: {  	_ =	shalt  }
0x6d: {  	_ =	shalt  }
0x6e: {  	_ =	shalt  }
0x6f: {  	_ =	shalt  }
0x70: {  	_ =	shalt  }
0x71: {  	_ =	shalt  }
0x72: {  	_ =	shalt  }
0x73: {  	_ =	shalt  }
0x74: {  	_ =	shalt  }
0x75: {  	_ =	shalt  }
0x76: {  	_ =	shalt  }
0x77: {  	_ =	shalt  }
0x78: {  	_ =	shalt  }
0x79: {  	_ =	shalt  }
0x7a: {  	_ =	shalt  }
0x7b: {  	_ =	shalt  }
0x7c: {  	_ =	shalt  }
0x7d: {  	_ =	shalt  }
0x7e: {  	_ =	shalt  }
0x7f: {  	_ =	shalt  }
0x80: {  	_ =	shalt  }
0x81: {  	_ =	shalt  }
0x82: {  	_ =	shalt  }
0x83: {  	_ =	shalt  }
0x84: {  	_ =	shalt  }
0x85: {  	_ =	shalt  }
0x86: {  	_ =	shalt  }
0x87: {  	_ =	shalt  }
.Lfunc_end0:
.L_simem_size_0:
called_computation.1_lowered:
.L_overlay_start_0:
0x88: {  	s2 =	sld [smem:$0x3FD9]  }
0x89: {  	s3 =	sld [smem:$0x3FFE];
	_ =	sdelay $0x1  }
0x8a: {  	s1 =	srdreg.scid  }
0x8b: {  	s0 =	sand.u32 $0x1, s1  }
0x8c: {  	s16 =	sshll.u32 s0, $0xA;
	s2 =	sadd.s32 s3, s2  }
0x8d: {  	s2 =	sadd.s32 s2, s16  }
0x8e: {  	[smem:$0x3FC4] =	sst s2  }
0x8f: {  	_ = 	snop  }
0x90: {  	(tm) =	ssettm $0x1  }
0x91: {  	s17 =	sld [smem:$0x3FFB];
	_ =	sdelay $0x3  }
0x92: {  	_ =	strace s17  }
0x93: {  	s2 =	sld [smem:$0x3FFC];
	_ =	sdelay $0x3  }
0x94: {  	_ =	strace s2  }
0x95: {  	s2 =	sld [smem:$0x3FFD];
	_ =	sdelay $0x3  }
0x96: {  	_ =	strace s2  }
0x97: {  	_ =	strace $0x8FFFFFFF  }
0x98: {  	s18 =	sld [smem:$0x3FDB];
	_ =	sdelay $0x1  }
0x99: {  	s19 =	simm.s32 $_scs_section_size  }
0x9a: {  	s4 =	simm.s32 $_size__tile_overlayer_lowered;
	s5 =	simm.s32 $_tile_overlayer_lowered  }
0x9b: {  	s22 =	simm.s32 $0x1BFF;
	s21 =	sshll.u32 s5, $0x1;
	s2 =	sadd.s32 s19, s18  }
0x9c: {  	s6 =	simm.s32 $0x0;
	s20 =	sshll.u32 s4, $0x1;
	s4 =	sadd.s32 s21, s2  }
0x9d: {  	[timem:s6], [sflag:s22] =	dma.local [hbm:s4], s20  }
0x9e: {  	_ =	swait.ge [sflag:s22], s20  }
0x9f: {  	s3 =	ssub.s32 $0x0, s20;
	[sflag:s22] =	ssyncset.done $0x0  }
0xa0: {  	[sflag:s22] =	ssyncadd.s32 s3;
	_ =	sdelay $0x1  }
0xa1: {  	s23 =	simm.s32 $0x1B8B  }
0xa2: {  	_ =	swait.ge [sflag:s23], $0x1  }
0xa3: {  	[sflag:s23] =	ssyncset.done $0x0  }
0xa4: {  	s25 =	simm.s32 $0x1B8E;
	s24 =	sld [smem:$0x3FFE];
	[sflag:s23] =	ssyncadd.s32 $0xFFFFFFFF  }
0xa5: {  	s26 =	simm.s32 $execute0_lowered;
	[smem:$0x3FD2] =	sst s25  }
0xa6: {  	s4 =	sshll.u32 s26, $0x1;
	_ =	strace $0x80000049;
	[dreg:$0x1] =	wrdreg $0xFFFFFFFF  }
0xa7: {  	s28 =	simm.s32 $_size_execute0_lowered;
	s2 =	sadd.s32 s2, s4;
	[dreg:$0x0] =	wrdreg $0x0  }
0xa8: {  	s4 =	sshll.u32 s28, $0x1;
	[dreg:$0x2] =	wrdreg s2  }
0xa9: {  	[dreg:$0x3] =	wrdreg s4  }
0xaa: {  	[dreg:$0x4] =	wrdreg $0xC0  }
0xab: {  	_ =	task [dreg:s6], $0x5FFFF  }
0xac: {  	[dreg:$0x1] =	wrdreg $0xFFFFFFFF  }
0xad: {  	[dreg:$0x0] =	wrdreg $0x60  }
0xae: {  	[dreg:$0x2] =	wrdreg s24  }
0xaf: {  	[dreg:$0x3] =	wrdreg $0x0  }
0xb0: {  	[dreg:$0x4] =	wrdreg $0x9  }
0xb1: {  	_ =	task.clear_ibuf [dreg:s6], $0x5FFFF;
	_ =	strace $0x90000049  }
0xb2: {  	s29 =	simm.s32 $0x9;
	_ =	strace $0x8000004B  }
0xb3: {  	_ =	swait.ge [sflag:s29], $0x1  }
0xb4: {  	[sflag:s29] =	ssyncadd.s32 $0xFFFFFFFF  }
0xb5: {  	_ =	strace $0x9000004B  }
0xb6: {  	_ =	sfence  }
0xb7: {  	s30 =	sld [smem:$0x0];
	_ =	sdelay $0x2  }
0xb8: {  	s31 =	sshll.u32 s1, $0xD;
	s1 =	sshrl.u32 s1, $0x2  }
0xb9: {  	s3 =	sand.u32 $0x4000, s31;
	s1 =	sadd.s32 s1, s30  }
0xba: {  	s0 =	sor.u32 s3, s0;
	s1 =	sshll.u32 s1, $0x11  }
0xbb: {  	s0 =	sor.u32 s1, s0  }
0xbc: {  	s0 =	sadd.s32 $0x8F2B, s0  }
0xbd: {  	[sflag:s0] =	ssyncadd.remote.s32 $0x1  }
0xbe: {  	_ =	sfence.sel $0xFFFF  }
0xbf: {  	[dreg:$0x0] =	wrdreg $0xFFFFFFFF;
	(pc) =	sbr.abs _section_cstart, $3  }
0xc0: {  	[dreg:$0x1] =	wrdreg $0xFFFFFFFF  }
0xc1: {  	_ =	task.clear_ibuf [dreg:s6], $0x2FFFF;
	_ =	strace $0x9FFFFFFF  }
0xc2: {  	(tm) =	ssettm $0x7FFFFFFF  }
0xc3: {  	_ =	shalt  }
tec
execute0_lowered:
.L_overlay_start_1:
0x0: {  	(tag) =	ssettag $0x1  }
0x1: {  	s0 =	rddreg [dreg:$0x0]  }
0x2: {  	s2 =	rddreg [dreg:$0x1];
	s3 =	simm.s32 $0x0  }
0x3: {  	s12 =	stileid.u32;
	s4 =	srdreg.scid;
	s17 =	simm.s32 $0x4  }
0x4: {  	s18 =	simm.s32 $0x300;
	s19 =	simm.s32 $0x30D400;
	s20 =	simm.s32 $0x18800  }
0x5: {  	s21 =	simm.s32 $0x19400;
	s28 =	simm.s32 $0x2;
	s29 =	simm.s32 $0x3  }
0x6: {  	s30 =	simm.s32 $0x80;
	s31 =	simm.s32 $0x20;
	[smem:$0x7FF] =	sst s3  }
0x7: {  	s1 =	smul.u32 $0x18800, s12;
	s6 =	sand.u32 $0x1, s4;
	s4 =	sadd.s32 $0x1800, s0  }
0x8: {  	s5 =	sadd.s32 $0xF5E00, s0;
	s9 =	sshll.u32 s12, $0x1;
	s22 =	smul.u32 $0x30D40, s12  }
0x9: {  	s24 =	sshll.u32 s12, $0x6;
	_ =	strace $0x8000004A;
	s8 =	smul.u32 $0x188000, s6  }
0xa: {  	s10 =	ssub.s32 $0x2, s6;
	s9 =	sor.u32 s6, s9;
	s6 =	smul.u32 $0x186A0, s6  }
0xb: {  	s7 =	sshrl.u32 s1, $0x3;
	s11 =	sshrl.u32 s10, $0x1;
	s9 =	smul.u32 $0x186A0, s9  }
0xc: {  	s7 =	sadd.s32 s7, s0;
	s8 =	sadd.s32 s1, s8;
	s13 =	ssub.s32 s10, s11  }
0xd: {  	s1 =	sadd.s32 s1, s2;
	s6 =	sadd.s32 s6, s22;
	s22 =	simm.s32 $0x18E00  }
0xe: {  	s8 =	sshrl.u32 s8, $0x3;
	s23 =	sshrl.u32 s9, $0x3;
	s7 =	sadd.s32 $0x126E00, s7  }
0xf: {  	s14 =	sadd.s32 $0x900, s6;
	s13 =	smax.u32 s13, $0x1;
	s15 =	sadd.s32 $0x600, s6  }
0x10: {  	s16 =	sshrl.u32 s1, $0x3;
	s0 =	sadd.s32 s8, s0;
	[dreg:$0x3] =	wrdreg s7  }
0x11: {  	s7 =	sadd.s32 s4, s23;
	s8 =	sor.u32 $0x1C04, s24;
	s26 =	sshrl.u32 s14, $0x3  }
0x12: {  	s23 =	simm.s32 $0x1C400;
	s24 =	simm.s32 $0x1;
	s25 =	sadd.s32 $0x60, s7  }
0x13: {  	s10 =	sadd.s32 $0x30C0, s7;
	s11 =	sadd.s32 $0x30D0, s7;
	s0 =	sadd.s32 $0x157E00, s0  }
0x14: {  	s14 =	sadd.s32 s26, s4;
	s26 =	simm.s32 $0x19100;
	[dreg:$0x4] =	wrdreg s25  }
0x15: {  	[dreg:$0x5] =	wrdreg s0;
	s25 =	simm.s32 $0x18B00;
	s0 =	simm.s32 $0x0  }
.LBB2_1:
0x16: {  	s1 =	rddreg [dreg:$0x3]  }
0x17: {  	[spmem:s16], [sflag:s8] =	dma.local [hbm:s1], $0x3100  }
0x18: {  	_ =	swait.ge [sflag:s17], $0x3100  }
0x19: {  	[sflag:s17] =	ssyncset.done $0x0  }
0x1a: {  	[sflag:s17] =	ssyncadd.s32 $0xFFFFCF00  }
0x1b: {  	[bflag:$0x0] =	sbarrier.arrive $0xFFFF  }
0x1c: {  	[tilespmem:s20], [sflag:$0x4] =	stream.strided.gather [hbm4b:s7+s18], $0x600, s19, s18, $0x38;
	[tilespmem:$0x1F400] =	vst v63  }
0x1d: {  	_ =	swait.ge [sflag:s17], $0x600  }
0x1e: {  	[sflag:s17] =	ssyncset.done $0x0  }
0x1f: {  	[sflag:s17] =	ssyncadd.s32 $0xFFFFFA00  }
0x20: {  	[tilespmem:s21], [sflag:$0x1] =	stream.indirect.gather [hbm4b:s5+s18], $0x10, s20, s18, $0xb8;
	[tilespmem:$0x1F400] =	vst v63  }
0x21: {  	s6 =	rddreg [dreg:$0x4]  }
0x22: {  	[tilespmem:s22], [sflag:$0x4] =	stream.strided.gather [hbm4b:s6+s18], $0x600, s19, s18, $0x38;
	[tilespmem:$0x1F400] =	vst v63  }
0x23: {  	_ =	swait.ge [sflag:s17], $0x600  }
0x24: {  	[sflag:s17] =	ssyncset.done $0x0  }
0x25: {  	[sflag:s17] =	ssyncadd.s32 $0xFFFFFA00  }
0x26: {  	[tilespmem:s23], [sflag:$0x1] =	stream.indirect.gather [hbm4b:s5+s18], $0x10, s22, s18, $0xb8;
	[tilespmem:$0x1F400] =	vst v63  }
0x27: {  	_ =	swait.ge [sflag:s24], $0x3000  }
0x28: {  	[sflag:s24] =	ssyncset.done $0x0  }
0x29: {  	[sflag:s24] =	ssyncadd.s32 $0xFFFFD000  }
0x2a: {  	[spmem:s2] =	stream.indirect.scatter.add.f32 [tilespmem:s21], [sflag:$0x2], $0x10, s25, s18, $0xb8;
	[tilespmem:$0x1F400] =	vst v63  }
0x2b: {  	_ =	swait.ge [sflag:s24], $0x3000  }
0x2c: {  	[sflag:s24] =	ssyncset.done $0x0  }
0x2d: {  	[sflag:s24] =	ssyncadd.s32 $0xFFFFD000  }
0x2e: {  	[spmem:s2] =	stream.indirect.scatter.add.f32 [tilespmem:s23], [sflag:$0x2], $0x10, s26, s18, $0xb8;
	[tilespmem:$0x1F400] =	vst v63  }
0x2f: {  	_ =	swait.ge [sflag:s28], $0x3000  }
0x30: {  	s9 =	sshrl.u32 s15, $0x3;
	[sflag:s28] =	ssyncset.done $0x0  }
0x31: {  	s1 =	sadd.s32 s4, s9;
	[sflag:s28] =	ssyncadd.s32 $0xFFFFD000  }
0x32: {  	[tilespmem:s20], [sflag:$0x3] =	stream.strided.gather [hbm4b:s1+s18], $0x600, s19, s18, $0x38;
	[tilespmem:$0x1F400] =	vst v63  }
0x33: {  	_ =	swait.ge [sflag:s28], $0x3000  }
0x34: {  	[sflag:s28] =	ssyncset.done $0x0  }
0x35: {  	s12 =	sadd.s32 $0x0, s14;
	[sflag:s28] =	ssyncadd.s32 $0xFFFFD000  }
0x36: {  	[tilespmem:s22], [sflag:$0x3] =	stream.strided.gather [hbm4b:s12+s18], $0x600, s19, s18, $0x38;
	[tilespmem:$0x1F400] =	vst v63  }
0x37: {  	_ =	swait.ge [sflag:s29], $0x600  }
0x38: {  	[sflag:s29] =	ssyncset.done $0x0  }
0x39: {  	[sflag:s29] =	ssyncadd.s32 $0xFFFFFA00  }
0x3a: {  	[tilespmem:s21], [sflag:$0x1] =	stream.indirect.gather [hbm4b:s5+s18], $0x10, s20, s18, $0xb8;
	[tilespmem:$0x1F400] =	vst v63  }
0x3b: {  	_ =	swait.ge [sflag:s29], $0x600  }
0x3c: {  	[sflag:s29] =	ssyncset.done $0x0  }
0x3d: {  	s6 =	sadd.s32 $0x600, s15;
	s1 =	simm.s32 $0xC0;
	[sflag:s29] =	ssyncadd.s32 $0xFFFFFA00  }
.LBB2_2:
0x3e: {  	[tilespmem:s23], [sflag:$0x1] =	stream.indirect.gather [hbm4b:s5+s18], $0x10, s22, s18, $0xb8;
	[tilespmem:$0x1F400] =	vst v63  }
0x3f: {  	s9 =	smov.u32 s1  }
0x40: {  	p0 =	sne.s32 s1, $0x2F40;
	s1 =	sadd.s32 $0xC0, s1;
	_ =	swait.ge [sflag:s24], $0x3000  }
0x41: {  	[sflag:s24] =	ssyncset.done $0x0  }
0x42: {  	[sflag:s24] =	ssyncadd.s32 $0xFFFFD000  }
0x43: {  	[spmem:s2] =	stream.indirect.scatter.add.f32 [tilespmem:s21], [sflag:$0x2], $0x10, s25, s18, $0xb8;
	[tilespmem:$0x1F400] =	vst v63  }
0x44: {  	_ =	swait.ge [sflag:s24], $0x3000  }
0x45: {  	[sflag:s24] =	ssyncset.done $0x0  }
0x46: {  	[sflag:s24] =	ssyncadd.s32 $0xFFFFD000  }
0x47: {  	[spmem:s2] =	stream.indirect.scatter.add.f32 [tilespmem:s23], [sflag:$0x2], $0x10, s26, s18, $0xb8;
	[tilespmem:$0x1F400] =	vst v63  }
0x48: {  	_ =	swait.ge [sflag:s28], $0x3000  }
0x49: {  	s12 =	sshrl.u32 s6, $0x3;
	[sflag:s28] =	ssyncset.done $0x0  }
0x4a: {  	s12 =	sadd.s32 s4, s12;
	[sflag:s28] =	ssyncadd.s32 $0xFFFFD000  }
0x4b: {  	[tilespmem:s20], [sflag:$0x3] =	stream.strided.gather [hbm4b:s12+s18], $0x600, s19, s18, $0x38;
	[tilespmem:$0x1F400] =	vst v63  }
0x4c: {  	_ =	swait.ge [sflag:s28], $0x3000  }
0x4d: {  	[sflag:s28] =	ssyncset.done $0x0  }
0x4e: {  	s9 =	sadd.s32 s9, s14;
	[sflag:s28] =	ssyncadd.s32 $0xFFFFD000  }
0x4f: {  	[tilespmem:s22], [sflag:$0x3] =	stream.strided.gather [hbm4b:s9+s18], $0x600, s19, s18, $0x38;
	[tilespmem:$0x1F400] =	vst v63  }
0x50: {  	_ =	swait.ge [sflag:s29], $0x600  }
0x51: {  	[sflag:s29] =	ssyncset.done $0x0  }
.Ltmp0:
0x52: {  	[sflag:s29] =	ssyncadd.s32 $0xFFFFFA00;
	(pc) =	sbr.rel @p0 .LBB2_2-.Ltmp0, $4  }
0x53: {  	[tilespmem:s21], [sflag:$0x1] =	stream.indirect.gather [hbm4b:s5+s18], $0x10, s20, s18, $0xb8;
	[tilespmem:$0x1F400] =	vst v63  }
0x54: {  	_ =	swait.ge [sflag:s29], $0x600  }
0x55: {  	[sflag:s29] =	ssyncset.done $0x0  }
0x56: {  	s6 =	sadd.s32 $0x600, s6;
	[sflag:s29] =	ssyncadd.s32 $0xFFFFFA00  }
0x57: {  	[tilespmem:s23], [sflag:$0x1] =	stream.indirect.gather [hbm4b:s5+s18], $0x10, s22, s18, $0xb8;
	[tilespmem:$0x1F400] =	vst v63  }
0x58: {  	_ =	swait.ge [sflag:s24], $0x3000  }
0x59: {  	[sflag:s24] =	ssyncset.done $0x0  }
0x5a: {  	[sflag:s24] =	ssyncadd.s32 $0xFFFFD000  }
0x5b: {  	[spmem:s2] =	stream.indirect.scatter.add.f32 [tilespmem:s21], [sflag:$0x2], $0x10, s25, s18, $0xb8;
	[tilespmem:$0x1F400] =	vst v63  }
0x5c: {  	_ =	swait.ge [sflag:s24], $0x3000  }
0x5d: {  	[sflag:s24] =	ssyncset.done $0x0  }
0x5e: {  	[sflag:s24] =	ssyncadd.s32 $0xFFFFD000  }
0x5f: {  	[spmem:s2] =	stream.indirect.scatter.add.f32 [tilespmem:s23], [sflag:$0x2], $0x10, s26, s18, $0xb8;
	[tilespmem:$0x1F400] =	vst v63  }
0x60: {  	_ =	swait.ge [sflag:s28], $0x3000  }
0x61: {  	[sflag:s28] =	ssyncset.done $0x0  }
0x62: {  	[sflag:s28] =	ssyncadd.s32 $0xFFFFD000  }
0x63: {  	_ =	swait.ge [sflag:s28], $0x3000  }
0x64: {  	[sflag:s28] =	ssyncset.done $0x0  }
0x65: {  	[sflag:s28] =	ssyncadd.s32 $0xFFFFD000  }
0x66: {  	[tilespmem:s20], [sflag:$0x4] =	stream.linear.gather [hbm4b:s10+s3], $0x80, $0x38;
	[tilespmem:$0x1F400] =	vst v63  }
0x67: {  	s1 =	sadd.s32 $0x61A80, s10  }
0x68: {  	[tilespmem:s25], [sflag:$0x4] =	stream.linear.gather [hbm4b:s1+s3], $0x80, $0x38;
	[tilespmem:$0x1F400] =	vst v63  }
0x69: {  	_ =	swait.ge [sflag:s17], $0x100  }
0x6a: {  	[sflag:s17] =	ssyncset.done $0x0  }
0x6b: {  	[sflag:s17] =	ssyncadd.s32 $0xFFFFFF00  }
0x6c: {  	[tilespmem:s21], [sflag:$0x4] =	stream.indirect.gather [hbm4b:s5+s30], $0x10, s20, s30, $0xb8;
	[tilespmem:$0x1F400] =	vst v63  }
0x6d: {  	_ =	swait.ge [sflag:s17], $0x800  }
0x6e: {  	[sflag:s17] =	ssyncset.done $0x0  }
0x6f: {  	[sflag:s17] =	ssyncadd.s32 $0xFFFFF800  }
0x70: {  	[spmem:s2] =	stream.indirect.scatter.add.f32 [tilespmem:s21], [sflag:$0x4], $0x10, s25, s30, $0xb8;
	[tilespmem:$0x1F400] =	vst v63  }
0x71: {  	_ =	swait.ge [sflag:s17], $0x800  }
0x72: {  	[sflag:s17] =	ssyncset.done $0x0  }
0x73: {  	[sflag:s17] =	ssyncadd.s32 $0xFFFFF800  }
0x74: {  	[tilespmem:s20], [sflag:$0x4] =	stream.linear.gather [hbm4b:s11+s3], $0x20, $0x38;
	[tilespmem:$0x1F400] =	vst v63  }
0x75: {  	s9 =	sadd.s32 $0x61A80, s11  }
0x76: {  	[tilespmem:s25], [sflag:$0x4] =	stream.linear.gather [hbm4b:s9+s3], $0x20, $0x38;
	[tilespmem:$0x1F400] =	vst v63  }
0x77: {  	_ =	swait.ge [sflag:s17], $0x40  }
0x78: {  	[sflag:s17] =	ssyncset.done $0x0  }
0x79: {  	[sflag:s17] =	ssyncadd.s32 $0xFFFFFFC0  }
0x7a: {  	[tilespmem:s21], [sflag:$0x4] =	stream.indirect.gather [hbm4b:s5+s31], $0x10, s20, s31, $0xb8;
	[tilespmem:$0x1F400] =	vst v63  }
0x7b: {  	_ =	swait.ge [sflag:s17], $0x200  }
0x7c: {  	[sflag:s17] =	ssyncset.done $0x0  }
0x7d: {  	[sflag:s17] =	ssyncadd.s32 $0xFFFFFE00  }
0x7e: {  	[spmem:s2] =	stream.indirect.scatter.add.f32 [tilespmem:s21], [sflag:$0x4], $0x10, s25, s31, $0xb8;
	[tilespmem:$0x1F400] =	vst v63  }
0x7f: {  	_ =	swait.ge [sflag:s17], $0x200  }
0x80: {  	[sflag:s17] =	ssyncset.done $0x0  }
0x81: {  	s0 =	sadd.s32 $0x1, s0;
	[sflag:s17] =	ssyncadd.s32 $0xFFFFFE00  }
0x82: {  	p0 =	sne.s32 s0, s13;
	[bflag:$0x0] =	sbarrier.arrive $0xFFFF  }
.Ltmp1:
0x83: {  	s12 =	rddreg [dreg:$0x5];
	(pc) =	sbr.rel @p0 .LBB2_1-.Ltmp1, $4  }
0x84: {  	[hbm:s12], [sflag:s8] =	dma.local [spmem:s16], $0x3100  }
0x85: {  	_ =	swait.ge [sflag:s17], $0x3100  }
0x86: {  	[sflag:s17] =	ssyncset.done $0x0  }
0x87: {  	[sflag:s17] =	ssyncadd.s32 $0xFFFFCF00  }
0x88: {  	_ =	sfence.sel $0x180000  }
0x89: {  	[bflag:$0x0] =	sbarrier.arrive $0xFFFF  }
0x8a: {  	_ =	strace $0x9000004A  }
0x8b: {  	s0 =	stileid.u32;
	[bflag:$0x2] =	sbarrier.arrive $0xFFFF  }
0x8c: {  	p0 =	sne.s32 s0, $0x0;
	s0 =	rddreg [dreg:$0x2]  }
0x8d: {  	s0 =	sadd.s32 @!p0 $0x100000, s0  }
0x8e: {  	[sflag:s0] =	ssyncadd.tile.s32 @!p0 $0x1;
	_ =	shalt  }
.Lfunc_end2:
_tile_overlayer_lowered:
.L_overlay_start_2:
0x8f: {  	(tag) =	ssettag $0x2  }
0x90: {  	s0 =	rddreg [dreg:$0x0];
	s2 =	stileid.u32  }
0x91: {  	s1 =	rddreg [dreg:$0x1];
	p0 =	sne.s32 s2, $0x0  }
0x92: {  	s3 =	rddreg [dreg:$0x2];
	[bflag:$0x3] =	sbarrier.arrive $0xFFFF;
	s2 =	simm.s32 @!p0 $0x1C04  }
0x93: {  	[timem:s3], [sflag:s2] =	dma.local @!p0 [hbm:s0], s1  }
0x94: {  	s0 =	simm.s32 @!p0 $0x4  }
0x95: {  	_ =	swait.ge @!p0 [sflag:s0], s1  }
0x96: {  	s1 =	ssub.s32 @!p0 $0x0, s1;
	[sflag:s0] =	ssyncset.done @!p0 $0x0  }
0x97: {  	[sflag:s0] =	ssyncadd.s32 @!p0 s1  }
0x98: {  	[bflag:$0x3] =	sbarrier.arrive $0xFFFF  }
0x99: {  	_ =	shalt  }

</sc_bundles>
